<compile_context>
chip_gen: v7x
topology: tpu7x:2x2x1
jax: 0.10.2.dev20260603
libtpu: 0.0.44.dev20260713+nightly
codegen_flags: <defaults>
</compile_context>

<pallas_src>
import functools

import jax
import jax.numpy as jnp
from jax import lax
from jax.experimental import pallas as pl
from jax.experimental.pallas import tpu as pltpu
from jax.experimental.pallas import tpu_sc as plsc

_LANES = 16
_ICHUNK = 128
_CHUNK = 2048


def _scale_block(dose, beta_g, bias_g):
    s = dose / (dose + 2.0)
    s2 = s * s
    l1p = 2.0 * s * (1.0 + s2 * (1.0 / 3.0 + s2 * (1.0 / 5.0
                     + s2 * (1.0 / 7.0 + s2 * (1.0 / 9.0)))))
    y = l1p * beta_g + bias_g
    sig_y = 1.0 / (1.0 + jnp.exp(-y))
    sig_b = 1.0 / (1.0 + jnp.exp(-bias_g))
    return sig_y - sig_b


def kernel(drugs, doses, embedding, beta, bias):
    B = drugs.shape[0]
    V, D = embedding.shape
    drugs = drugs.reshape(-1).astype(jnp.int32)
    doses = doses.reshape(-1).astype(jnp.float32)
    emb_t = embedding.T

    info = plsc.get_sparse_core_info()
    NC, NS = info.num_cores, info.num_subcores
    NW = NC * NS
    pa = B // NS
    rows_per_w = D // NW

    mesh = plsc.VectorSubcoreMesh(core_axis_name="c", subcore_axis_name="s")

    @functools.partial(
        pl.kernel,
        mesh=mesh,
        compiler_params=pltpu.CompilerParams(needs_layout_passes=False),
        out_type=jax.ShapeDtypeStruct((D, B), jnp.float32),
        scratch_types=[
            pltpu.VMEM((B,), jnp.int32),
            pltpu.VMEM((pa,), jnp.int32),
            pltpu.VMEM((pa,), jnp.float32),
            pltpu.VMEM((pa,), jnp.float32),
            pltpu.VMEM((pa,), jnp.float32),
            pltpu.VMEM((pa,), jnp.float32),
            pltpu.VMEM((V,), jnp.float32),
            pltpu.VMEM((_CHUNK,), jnp.float32),
            pltpu.VMEM((_CHUNK,), jnp.float32),
            pltpu.VMEM((_CHUNK,), jnp.float32),
            pltpu.VMEM_SHARED((B,), jnp.float32),
            pltpu.SemaphoreType.DMA,
            pltpu.SemaphoreType.DMA,
            pltpu.SemaphoreType.DMA,
        ],
    )
    def _k(drugs_hbm, doses_hbm, embt_hbm, beta_hbm, bias_hbm, out_hbm,
           idx_v, idx_a, dose_v, betag_v, biasg_v, scale_a, row_v, scale_c,
           out_c0, out_c1, scale_sh, sem, rsem, osem):
        sid = lax.axis_index("s")
        cid = lax.axis_index("c")
        wid = cid * NS + sid
        a0 = sid * pa

        pltpu.sync_copy(drugs_hbm.at[pl.ds(a0, pa)], idx_a)
        copies = []
        for j in range(pa // _ICHUNK):
            isl = idx_a.at[pl.ds(j * _ICHUNK, _ICHUNK)]
            sl = pl.ds(j * _ICHUNK, _ICHUNK)
            copies.append(pltpu.async_copy(beta_hbm.at[isl], betag_v.at[sl], sem))
            copies.append(pltpu.async_copy(bias_hbm.at[isl], biasg_v.at[sl], sem))
        row_cp = pltpu.async_copy(embt_hbm.at[wid * rows_per_w], row_v, rsem)
        idx_cp = pltpu.async_copy(drugs_hbm, idx_v, rsem)
        pltpu.sync_copy(doses_hbm.at[pl.ds(a0, pa)], dose_v)
        for c in copies:
            c.wait()

        @plsc.parallel_loop(0, pa // _LANES, unroll=4)
        def sbody(g):
            sl = pl.ds(g * _LANES, _LANES)
            scale_a[sl] = _scale_block(dose_v[sl], betag_v[sl], biasg_v[sl])
        pltpu.sync_copy(scale_a, scale_sh.at[pl.ds(a0, pa)])
        idx_cp.wait()
        plsc.subcore_barrier()

        n_chunks = B // _CHUNK
        n_writes = 0
        for rr in range(rows_per_w):
            r = wid * rows_per_w + rr
            row_cp.wait()

            def pair_body(k2, carry):
                for b, ob in ((0, out_c0), (1, out_c1)):
                    k = k2 * 2 + b
                    pltpu.sync_copy(scale_sh.at[pl.ds(k * _CHUNK, _CHUNK)],
                                    scale_c)

                    @pl.when(carry + b >= 2)
                    def _():
                        pltpu.make_async_copy(
                            out_hbm.at[r, pl.ds(0, _CHUNK)], ob, osem).wait()

                    @plsc.parallel_loop(0, _CHUNK // _LANES, unroll=16)
                    def gbody(v):
                        sl = pl.ds(v * _LANES, _LANES)
                        iv = idx_v[pl.ds(k * _CHUNK + v * _LANES, _LANES)]
                        ob[sl] = plsc.load_gather(row_v, [iv]) * scale_c[sl]
                    pltpu.async_copy(
                        ob, out_hbm.at[r, pl.ds(k * _CHUNK, _CHUNK)], osem)
                return carry + 2
            n_writes = lax.fori_loop(0, n_chunks // 2, pair_body,
                                     jnp.int32(n_writes))
            if rr + 1 < rows_per_w:
                row_cp = pltpu.async_copy(embt_hbm.at[r + 1], row_v, rsem)
        for ob in (out_c0, out_c1):
            pltpu.make_async_copy(out_hbm.at[0, pl.ds(0, _CHUNK)],
                                  ob, osem).wait()

    return _k(drugs, doses, emb_t, beta, bias).T

# --- scband reference (transcript-rebuilt; emitter-appended) ---
"""Pipeline reference for scband-drug-network-11192684774061 (READ-ONLY COPY).

The authoritative reference and input builder live on the scoring server;
editing this copy changes nothing except your own understanding.
"""

import jax, jax.numpy as jnp
import numpy as np

N_DRUGS = 100000
N_LATENT = 64
BATCH = 16384

def setup_inputs(seed: int = 0) -> dict:
    key = jax.random.key(seed)
    k1, k2, k3 = jax.random.split(key, 3)
    drugs = jax.random.randint(k1, (BATCH,), 0, N_DRUGS, dtype=jnp.int64) if jax.config.jax_enable_x64 else jax.random.randint(k1, (BATCH,), 0, N_DRUGS, dtype=jnp.int32)
    doses = jax.random.uniform(k2, (BATCH,), dtype=jnp.float32)
    embedding = jax.random.normal(k3, (N_DRUGS, N_LATENT), dtype=jnp.float32)
    # GeneralizedSigmoid params: beta init ones, bias init zeros (shape (1, n_drugs) in torch; store 1D)
    beta = jnp.ones((N_DRUGS,), dtype=jnp.float32)
    bias = jnp.zeros((N_DRUGS,), dtype=jnp.float32)
    return {"drugs": drugs, "doses": doses, "embedding": embedding, "beta": beta, "bias": bias}

def reference(drugs, doses, embedding, beta, bias):
    # doser_type == 'logsigm', doses is not None branch of DrugNetwork.forward
    drugs = drugs.reshape(-1)
    doses = doses.astype(jnp.float32).reshape(-1)
    bias_g = bias[drugs]          # gather per-drug bias
    beta_g = beta[drugs]          # gather per-drug beta
    c0 = jax.nn.sigmoid(bias_g)
    scaled_dosages = jax.nn.sigmoid(jnp.log1p(doses) * beta_g + bias_g) - c0  # (B,)
    drug_embeddings = jnp.take(embedding, drugs, axis=0)  # (B, n_latent)
    out = scaled_dosages[:, None] * drug_embeddings        # einsum 'b,be->be'
    return out

if __name__ == "__main__":
    import jax
    _d = setup_inputs()
    print(jax.jit(kernel)(*tuple(_d.values())))

</pallas_src>

<mosaic_0001>
#map = affine_map<(d0, d1) -> (0)>
#map1 = affine_map<(d0, d1) -> (0, 0)>
module attributes {stable_mosaic.version = 14 : i64} {
  func.func @_k(%arg0: i32, %arg1: i32, %arg2: memref<16384xi32, #tpu.memory_space<hbm>>, %arg3: memref<16384xf32, #tpu.memory_space<hbm>>, %arg4: memref<64x100000xf32, #tpu.memory_space<hbm>>, %arg5: memref<100000xf32, #tpu.memory_space<hbm>>, %arg6: memref<100000xf32, #tpu.memory_space<hbm>>, %arg7: memref<64x16384xf32, #tpu.memory_space<hbm>>, %arg8: memref<16384xi32, #tpu.memory_space<vmem>>, %arg9: memref<1024xi32, #tpu.memory_space<vmem>>, %arg10: memref<1024xf32, #tpu.memory_space<vmem>>, %arg11: memref<1024xf32, #tpu.memory_space<vmem>>, %arg12: memref<1024xf32, #tpu.memory_space<vmem>>, %arg13: memref<1024xf32, #tpu.memory_space<vmem>>, %arg14: memref<100000xf32, #tpu.memory_space<vmem>>, %arg15: memref<2048xf32, #tpu.memory_space<vmem>>, %arg16: memref<2048xf32, #tpu.memory_space<vmem>>, %arg17: memref<2048xf32, #tpu.memory_space<vmem>>, %arg18: memref<16384xf32, #tpu.memory_space<vmem_shared>>, %arg19: memref<!tpu.dma_semaphore, #tpu.memory_space<semaphore_mem>>, %arg20: memref<!tpu.dma_semaphore, #tpu.memory_space<semaphore_mem>>, %arg21: memref<!tpu.dma_semaphore, #tpu.memory_space<semaphore_mem>>) attributes {dimension_semantics = [#tpu.dimension_semantics<core_parallel>, #tpu.dimension_semantics<subcore_parallel>], iteration_bounds = array<i64: 2, 16>, scalar_prefetch = 0 : i64, scratch_operands = 14 : i64, tpu.core_type = #tpu.core_type<sc_vector_subcore>, window_params = [{transform_indices = #map}, {transform_indices = #map}, {transform_indices = #map1}, {transform_indices = #map}, {transform_indices = #map}, {transform_indices = #map1}]} {
    %mul3A = arith.constant 16 : i32
    %mul3A_0 = arith.muli %arg0, %mul3A : i32
    %add3A = arith.addi %mul3A_0, %arg1 : i32
    %mul3A_1 = arith.constant 1024 : i32
    %mul3A_2 = arith.muli %arg1, %mul3A_1 : i32
    "tpu.region"() ({
      %run_scoped3A = tpu.sem_alloc : memref<!tpu.dma_semaphore, #tpu.memory_space<semaphore_mem>>
      %dma_start3A_257 = tpu.memref_slice %arg2[%mul3A_2] : memref<16384xi32, #tpu.memory_space<hbm>> -> memref<1024xi32, #tpu.memory_space<hbm>>
      %dma_start3A_258 = tpu.memref_slice %arg2[%mul3A_2] : memref<16384xi32, #tpu.memory_space<hbm>> -> memref<1024xi32, #tpu.memory_space<hbm>>
      tpu.enqueue_dma source(%dma_start3A_258 : memref<1024xi32, #tpu.memory_space<hbm>>) target(%arg9 : memref<1024xi32, #tpu.memory_space<vmem>>) target_semaphore(%run_scoped3A : memref<!tpu.dma_semaphore, #tpu.memory_space<semaphore_mem>>)
      %dma_wait3A_259 = tpu.memref_slice %arg2[%mul3A_2] : memref<16384xi32, #tpu.memory_space<hbm>> -> memref<1024xi32, #tpu.memory_space<hbm>>
      %dma_wait3A_260 = tpu.memref_slice %arg2[%mul3A_2] : memref<16384xi32, #tpu.memory_space<hbm>> -> memref<1024xi32, #tpu.memory_space<hbm>>
      tpu.wait_dma2 semaphore(%run_scoped3A : memref<!tpu.dma_semaphore, #tpu.memory_space<semaphore_mem>>) src(%dma_wait3A_260 : memref<1024xi32, #tpu.memory_space<hbm>>) dst(%arg9 : memref<1024xi32, #tpu.memory_space<vmem>>)
      tpu.yield
    }) : () -> ()
    %dma_start3A = arith.constant 0 : i32
    %dma_start3A_3 = tpu.memref_slice %arg11[%dma_start3A] : memref<1024xf32, #tpu.memory_space<vmem>> -> memref<128xf32, #tpu.memory_space<vmem>>
    %dma_start3A_4 = arith.constant 0 : i32
    %dma_start3A_5 = tpu.memref_slice %arg9[%dma_start3A_4] : memref<1024xi32, #tpu.memory_space<vmem>> -> memref<128xi32, #tpu.memory_space<vmem>>
    %dma_start3A_6 = arith.constant 0 : i32
    %dma_start3A_7 = tpu.memref_slice %arg5[%dma_start3A_6] : memref<100000xf32, #tpu.memory_space<hbm>> -> memref<100000xf32, #tpu.memory_space<hbm>>
    tpu.enqueue_indirect_dma source(%dma_start3A_7 : memref<100000xf32, #tpu.memory_space<hbm>>) target(%dma_start3A_3 : memref<128xf32, #tpu.memory_space<vmem>>) offsets(%dma_start3A_5 : memref<128xi32, #tpu.memory_space<vmem>>) semaphore(%arg19 : memref<!tpu.dma_semaphore, #tpu.memory_space<semaphore_mem>>)
    %dma_start3A_8 = arith.constant 0 : i32
    %dma_start3A_9 = tpu.memref_slice %arg12[%dma_start3A_8] : memref<1024xf32, #tpu.memory_space<vmem>> -> memref<128xf32, #tpu.memory_space<vmem>>
    %dma_start3A_10 = arith.constant 0 : i32
    %dma_start3A_11 = tpu.memref_slice %arg9[%dma_start3A_10] : memref<1024xi32, #tpu.memory_space<vmem>> -> memref<128xi32, #tpu.memory_space<vmem>>
    %dma_start3A_12 = arith.constant 0 : i32
    %dma_start3A_13 = tpu.memref_slice %arg6[%dma_start3A_12] : memref<100000xf32, #tpu.memory_space<hbm>> -> memref<100000xf32, #tpu.memory_space<hbm>>
    tpu.enqueue_indirect_dma source(%dma_start3A_13 : memref<100000xf32, #tpu.memory_space<hbm>>) target(%dma_start3A_9 : memref<128xf32, #tpu.memory_space<vmem>>) offsets(%dma_start3A_11 : memref<128xi32, #tpu.memory_space<vmem>>) semaphore(%arg19 : memref<!tpu.dma_semaphore, #tpu.memory_space<semaphore_mem>>)
    %dma_start3A_14 = arith.constant 128 : i32
    %dma_start3A_15 = tpu.memref_slice %arg11[%dma_start3A_14] : memref<1024xf32, #tpu.memory_space<vmem>> -> memref<128xf32, #tpu.memory_space<vmem>>
    %dma_start3A_16 = arith.constant 128 : i32
    %dma_start3A_17 = tpu.memref_slice %arg9[%dma_start3A_16] : memref<1024xi32, #tpu.memory_space<vmem>> -> memref<128xi32, #tpu.memory_space<vmem>>
    %dma_start3A_18 = arith.constant 0 : i32
    %dma_start3A_19 = tpu.memref_slice %arg5[%dma_start3A_18] : memref<100000xf32, #tpu.memory_space<hbm>> -> memref<100000xf32, #tpu.memory_space<hbm>>
    tpu.enqueue_indirect_dma source(%dma_start3A_19 : memref<100000xf32, #tpu.memory_space<hbm>>) target(%dma_start3A_15 : memref<128xf32, #tpu.memory_space<vmem>>) offsets(%dma_start3A_17 : memref<128xi32, #tpu.memory_space<vmem>>) semaphore(%arg19 : memref<!tpu.dma_semaphore, #tpu.memory_space<semaphore_mem>>)
    %dma_start3A_20 = arith.constant 128 : i32
    %dma_start3A_21 = tpu.memref_slice %arg12[%dma_start3A_20] : memref<1024xf32, #tpu.memory_space<vmem>> -> memref<128xf32, #tpu.memory_space<vmem>>
    %dma_start3A_22 = arith.constant 128 : i32
    %dma_start3A_23 = tpu.memref_slice %arg9[%dma_start3A_22] : memref<1024xi32, #tpu.memory_space<vmem>> -> memref<128xi32, #tpu.memory_space<vmem>>
    %dma_start3A_24 = arith.constant 0 : i32
    %dma_start3A_25 = tpu.memref_slice %arg6[%dma_start3A_24] : memref<100000xf32, #tpu.memory_space<hbm>> -> memref<100000xf32, #tpu.memory_space<hbm>>
    tpu.enqueue_indirect_dma source(%dma_start3A_25 : memref<100000xf32, #tpu.memory_space<hbm>>) target(%dma_start3A_21 : memref<128xf32, #tpu.memory_space<vmem>>) offsets(%dma_start3A_23 : memref<128xi32, #tpu.memory_space<vmem>>) semaphore(%arg19 : memref<!tpu.dma_semaphore, #tpu.memory_space<semaphore_mem>>)
    %dma_start3A_26 = arith.constant 256 : i32
    %dma_start3A_27 = tpu.memref_slice %arg11[%dma_start3A_26] : memref<1024xf32, #tpu.memory_space<vmem>> -> memref<128xf32, #tpu.memory_space<vmem>>
    %dma_start3A_28 = arith.constant 256 : i32
    %dma_start3A_29 = tpu.memref_slice %arg9[%dma_start3A_28] : memref<1024xi32, #tpu.memory_space<vmem>> -> memref<128xi32, #tpu.memory_space<vmem>>
    %dma_start3A_30 = arith.constant 0 : i32
    %dma_start3A_31 = tpu.memref_slice %arg5[%dma_start3A_30] : memref<100000xf32, #tpu.memory_space<hbm>> -> memref<100000xf32, #tpu.memory_space<hbm>>
    tpu.enqueue_indirect_dma source(%dma_start3A_31 : memref<100000xf32, #tpu.memory_space<hbm>>) target(%dma_start3A_27 : memref<128xf32, #tpu.memory_space<vmem>>) offsets(%dma_start3A_29 : memref<128xi32, #tpu.memory_space<vmem>>) semaphore(%arg19 : memref<!tpu.dma_semaphore, #tpu.memory_space<semaphore_mem>>)
    %dma_start3A_32 = arith.constant 256 : i32
    %dma_start3A_33 = tpu.memref_slice %arg12[%dma_start3A_32] : memref<1024xf32, #tpu.memory_space<vmem>> -> memref<128xf32, #tpu.memory_space<vmem>>
    %dma_start3A_34 = arith.constant 256 : i32
    %dma_start3A_35 = tpu.memref_slice %arg9[%dma_start3A_34] : memref<1024xi32, #tpu.memory_space<vmem>> -> memref<128xi32, #tpu.memory_space<vmem>>
    %dma_start3A_36 = arith.constant 0 : i32
    %dma_start3A_37 = tpu.memref_slice %arg6[%dma_start3A_36] : memref<100000xf32, #tpu.memory_space<hbm>> -> memref<100000xf32, #tpu.memory_space<hbm>>
    tpu.enqueue_indirect_dma source(%dma_start3A_37 : memref<100000xf32, #tpu.memory_space<hbm>>) target(%dma_start3A_33 : memref<128xf32, #tpu.memory_space<vmem>>) offsets(%dma_start3A_35 : memref<128xi32, #tpu.memory_space<vmem>>) semaphore(%arg19 : memref<!tpu.dma_semaphore, #tpu.memory_space<semaphore_mem>>)
    %dma_start3A_38 = arith.constant 384 : i32
    %dma_start3A_39 = tpu.memref_slice %arg11[%dma_start3A_38] : memref<1024xf32, #tpu.memory_space<vmem>> -> memref<128xf32, #tpu.memory_space<vmem>>
    %dma_start3A_40 = arith.constant 384 : i32
    %dma_start3A_41 = tpu.memref_slice %arg9[%dma_start3A_40] : memref<1024xi32, #tpu.memory_space<vmem>> -> memref<128xi32, #tpu.memory_space<vmem>>
    %dma_start3A_42 = arith.constant 0 : i32
    %dma_start3A_43 = tpu.memref_slice %arg5[%dma_start3A_42] : memref<100000xf32, #tpu.memory_space<hbm>> -> memref<100000xf32, #tpu.memory_space<hbm>>
    tpu.enqueue_indirect_dma source(%dma_start3A_43 : memref<100000xf32, #tpu.memory_space<hbm>>) target(%dma_start3A_39 : memref<128xf32, #tpu.memory_space<vmem>>) offsets(%dma_start3A_41 : memref<128xi32, #tpu.memory_space<vmem>>) semaphore(%arg19 : memref<!tpu.dma_semaphore, #tpu.memory_space<semaphore_mem>>)
    %dma_start3A_44 = arith.constant 384 : i32
    %dma_start3A_45 = tpu.memref_slice %arg12[%dma_start3A_44] : memref<1024xf32, #tpu.memory_space<vmem>> -> memref<128xf32, #tpu.memory_space<vmem>>
    %dma_start3A_46 = arith.constant 384 : i32
    %dma_start3A_47 = tpu.memref_slice %arg9[%dma_start3A_46] : memref<1024xi32, #tpu.memory_space<vmem>> -> memref<128xi32, #tpu.memory_space<vmem>>
    %dma_start3A_48 = arith.constant 0 : i32
    %dma_start3A_49 = tpu.memref_slice %arg6[%dma_start3A_48] : memref<100000xf32, #tpu.memory_space<hbm>> -> memref<100000xf32, #tpu.memory_space<hbm>>
    tpu.enqueue_indirect_dma source(%dma_start3A_49 : memref<100000xf32, #tpu.memory_space<hbm>>) target(%dma_start3A_45 : memref<128xf32, #tpu.memory_space<vmem>>) offsets(%dma_start3A_47 : memref<128xi32, #tpu.memory_space<vmem>>) semaphore(%arg19 : memref<!tpu.dma_semaphore, #tpu.memory_space<semaphore_mem>>)
    %dma_start3A_50 = arith.constant 512 : i32
    %dma_start3A_51 = tpu.memref_slice %arg11[%dma_start3A_50] : memref<1024xf32, #tpu.memory_space<vmem>> -> memref<128xf32, #tpu.memory_space<vmem>>
    %dma_start3A_52 = arith.constant 512 : i32
    %dma_start3A_53 = tpu.memref_slice %arg9[%dma_start3A_52] : memref<1024xi32, #tpu.memory_space<vmem>> -> memref<128xi32, #tpu.memory_space<vmem>>
    %dma_start3A_54 = arith.constant 0 : i32
    %dma_start3A_55 = tpu.memref_slice %arg5[%dma_start3A_54] : memref<100000xf32, #tpu.memory_space<hbm>> -> memref<100000xf32, #tpu.memory_space<hbm>>
    tpu.enqueue_indirect_dma source(%dma_start3A_55 : memref<100000xf32, #tpu.memory_space<hbm>>) target(%dma_start3A_51 : memref<128xf32, #tpu.memory_space<vmem>>) offsets(%dma_start3A_53 : memref<128xi32, #tpu.memory_space<vmem>>) semaphore(%arg19 : memref<!tpu.dma_semaphore, #tpu.memory_space<semaphore_mem>>)
    %dma_start3A_56 = arith.constant 512 : i32
    %dma_start3A_57 = tpu.memref_slice %arg12[%dma_start3A_56] : memref<1024xf32, #tpu.memory_space<vmem>> -> memref<128xf32, #tpu.memory_space<vmem>>
    %dma_start3A_58 = arith.constant 512 : i32
    %dma_start3A_59 = tpu.memref_slice %arg9[%dma_start3A_58] : memref<1024xi32, #tpu.memory_space<vmem>> -> memref<128xi32, #tpu.memory_space<vmem>>
    %dma_start3A_60 = arith.constant 0 : i32
    %dma_start3A_61 = tpu.memref_slice %arg6[%dma_start3A_60] : memref<100000xf32, #tpu.memory_space<hbm>> -> memref<100000xf32, #tpu.memory_space<hbm>>
    tpu.enqueue_indirect_dma source(%dma_start3A_61 : memref<100000xf32, #tpu.memory_space<hbm>>) target(%dma_start3A_57 : memref<128xf32, #tpu.memory_space<vmem>>) offsets(%dma_start3A_59 : memref<128xi32, #tpu.memory_space<vmem>>) semaphore(%arg19 : memref<!tpu.dma_semaphore, #tpu.memory_space<semaphore_mem>>)
    %dma_start3A_62 = arith.constant 640 : i32
    %dma_start3A_63 = tpu.memref_slice %arg11[%dma_start3A_62] : memref<1024xf32, #tpu.memory_space<vmem>> -> memref<128xf32, #tpu.memory_space<vmem>>
    %dma_start3A_64 = arith.constant 640 : i32
    %dma_start3A_65 = tpu.memref_slice %arg9[%dma_start3A_64] : memref<1024xi32, #tpu.memory_space<vmem>> -> memref<128xi32, #tpu.memory_space<vmem>>
    %dma_start3A_66 = arith.constant 0 : i32
    %dma_start3A_67 = tpu.memref_slice %arg5[%dma_start3A_66] : memref<100000xf32, #tpu.memory_space<hbm>> -> memref<100000xf32, #tpu.memory_space<hbm>>
    tpu.enqueue_indirect_dma source(%dma_start3A_67 : memref<100000xf32, #tpu.memory_space<hbm>>) target(%dma_start3A_63 : memref<128xf32, #tpu.memory_space<vmem>>) offsets(%dma_start3A_65 : memref<128xi32, #tpu.memory_space<vmem>>) semaphore(%arg19 : memref<!tpu.dma_semaphore, #tpu.memory_space<semaphore_mem>>)
    %dma_start3A_68 = arith.constant 640 : i32
    %dma_start3A_69 = tpu.memref_slice %arg12[%dma_start3A_68] : memref<1024xf32, #tpu.memory_space<vmem>> -> memref<128xf32, #tpu.memory_space<vmem>>
    %dma_start3A_70 = arith.constant 640 : i32
    %dma_start3A_71 = tpu.memref_slice %arg9[%dma_start3A_70] : memref<1024xi32, #tpu.memory_space<vmem>> -> memref<128xi32, #tpu.memory_space<vmem>>
    %dma_start3A_72 = arith.constant 0 : i32
    %dma_start3A_73 = tpu.memref_slice %arg6[%dma_start3A_72] : memref<100000xf32, #tpu.memory_space<hbm>> -> memref<100000xf32, #tpu.memory_space<hbm>>
    tpu.enqueue_indirect_dma source(%dma_start3A_73 : memref<100000xf32, #tpu.memory_space<hbm>>) target(%dma_start3A_69 : memref<128xf32, #tpu.memory_space<vmem>>) offsets(%dma_start3A_71 : memref<128xi32, #tpu.memory_space<vmem>>) semaphore(%arg19 : memref<!tpu.dma_semaphore, #tpu.memory_space<semaphore_mem>>)
    %dma_start3A_74 = arith.constant 768 : i32
    %dma_start3A_75 = tpu.memref_slice %arg11[%dma_start3A_74] : memref<1024xf32, #tpu.memory_space<vmem>> -> memref<128xf32, #tpu.memory_space<vmem>>
    %dma_start3A_76 = arith.constant 768 : i32
    %dma_start3A_77 = tpu.memref_slice %arg9[%dma_start3A_76] : memref<1024xi32, #tpu.memory_space<vmem>> -> memref<128xi32, #tpu.memory_space<vmem>>
    %dma_start3A_78 = arith.constant 0 : i32
    %dma_start3A_79 = tpu.memref_slice %arg5[%dma_start3A_78] : memref<100000xf32, #tpu.memory_space<hbm>> -> memref<100000xf32, #tpu.memory_space<hbm>>
    tpu.enqueue_indirect_dma source(%dma_start3A_79 : memref<100000xf32, #tpu.memory_space<hbm>>) target(%dma_start3A_75 : memref<128xf32, #tpu.memory_space<vmem>>) offsets(%dma_start3A_77 : memref<128xi32, #tpu.memory_space<vmem>>) semaphore(%arg19 : memref<!tpu.dma_semaphore, #tpu.memory_space<semaphore_mem>>)
    %dma_start3A_80 = arith.constant 768 : i32
    %dma_start3A_81 = tpu.memref_slice %arg12[%dma_start3A_80] : memref<1024xf32, #tpu.memory_space<vmem>> -> memref<128xf32, #tpu.memory_space<vmem>>
    %dma_start3A_82 = arith.constant 768 : i32
    %dma_start3A_83 = tpu.memref_slice %arg9[%dma_start3A_82] : memref<1024xi32, #tpu.memory_space<vmem>> -> memref<128xi32, #tpu.memory_space<vmem>>
    %dma_start3A_84 = arith.constant 0 : i32
    %dma_start3A_85 = tpu.memref_slice %arg6[%dma_start3A_84] : memref<100000xf32, #tpu.memory_space<hbm>> -> memref<100000xf32, #tpu.memory_space<hbm>>
    tpu.enqueue_indirect_dma source(%dma_start3A_85 : memref<100000xf32, #tpu.memory_space<hbm>>) target(%dma_start3A_81 : memref<128xf32, #tpu.memory_space<vmem>>) offsets(%dma_start3A_83 : memref<128xi32, #tpu.memory_space<vmem>>) semaphore(%arg19 : memref<!tpu.dma_semaphore, #tpu.memory_space<semaphore_mem>>)
    %dma_start3A_86 = arith.constant 896 : i32
    %dma_start3A_87 = tpu.memref_slice %arg11[%dma_start3A_86] : memref<1024xf32, #tpu.memory_space<vmem>> -> memref<128xf32, #tpu.memory_space<vmem>>
    %dma_start3A_88 = arith.constant 896 : i32
    %dma_start3A_89 = tpu.memref_slice %arg9[%dma_start3A_88] : memref<1024xi32, #tpu.memory_space<vmem>> -> memref<128xi32, #tpu.memory_space<vmem>>
    %dma_start3A_90 = arith.constant 0 : i32
    %dma_start3A_91 = tpu.memref_slice %arg5[%dma_start3A_90] : memref<100000xf32, #tpu.memory_space<hbm>> -> memref<100000xf32, #tpu.memory_space<hbm>>
    tpu.enqueue_indirect_dma source(%dma_start3A_91 : memref<100000xf32, #tpu.memory_space<hbm>>) target(%dma_start3A_87 : memref<128xf32, #tpu.memory_space<vmem>>) offsets(%dma_start3A_89 : memref<128xi32, #tpu.memory_space<vmem>>) semaphore(%arg19 : memref<!tpu.dma_semaphore, #tpu.memory_space<semaphore_mem>>)
    %dma_start3A_92 = arith.constant 896 : i32
    %dma_start3A_93 = tpu.memref_slice %arg12[%dma_start3A_92] : memref<1024xf32, #tpu.memory_space<vmem>> -> memref<128xf32, #tpu.memory_space<vmem>>
    %dma_start3A_94 = arith.constant 896 : i32
    %dma_start3A_95 = tpu.memref_slice %arg9[%dma_start3A_94] : memref<1024xi32, #tpu.memory_space<vmem>> -> memref<128xi32, #tpu.memory_space<vmem>>
    %dma_start3A_96 = arith.constant 0 : i32
    %dma_start3A_97 = tpu.memref_slice %arg6[%dma_start3A_96] : memref<100000xf32, #tpu.memory_space<hbm>> -> memref<100000xf32, #tpu.memory_space<hbm>>
    tpu.enqueue_indirect_dma source(%dma_start3A_97 : memref<100000xf32, #tpu.memory_space<hbm>>) target(%dma_start3A_93 : memref<128xf32, #tpu.memory_space<vmem>>) offsets(%dma_start3A_95 : memref<128xi32, #tpu.memory_space<vmem>>) semaphore(%arg19 : memref<!tpu.dma_semaphore, #tpu.memory_space<semaphore_mem>>)
    %mul3A_98 = arith.constant 2 : i32
    %mul3A_99 = arith.muli %add3A, %mul3A_98 : i32
    %dma_start3A_100 = arith.constant 0 : i32
    %dma_start3A_101 = tpu.memref_slice %arg4[%mul3A_99, %dma_start3A_100] : memref<64x100000xf32, #tpu.memory_space<hbm>> -> memref<1x100000xf32, #tpu.memory_space<hbm>>
    %dma_start3A_102 = tpu.memref_squeeze %dma_start3A_101 : memref<1x100000xf32, #tpu.memory_space<hbm>> -> memref<100000xf32, #tpu.memory_space<hbm>>
    %dma_start3A_103 = arith.constant 0 : i32
    %dma_start3A_104 = tpu.memref_slice %arg4[%mul3A_99, %dma_start3A_103] : memref<64x100000xf32, #tpu.memory_space<hbm>> -> memref<1x100000xf32, #tpu.memory_space<hbm>>
    %dma_start3A_105 = tpu.memref_squeeze %dma_start3A_104 : memref<1x100000xf32, #tpu.memory_space<hbm>> -> memref<100000xf32, #tpu.memory_space<hbm>>
    tpu.enqueue_dma source(%dma_start3A_105 : memref<100000xf32, #tpu.memory_space<hbm>>) target(%arg14 : memref<100000xf32, #tpu.memory_space<vmem>>) target_semaphore(%arg20 : memref<!tpu.dma_semaphore, #tpu.memory_space<semaphore_mem>>)
    tpu.enqueue_dma source(%arg2 : memref<16384xi32, #tpu.memory_space<hbm>>) target(%arg8 : memref<16384xi32, #tpu.memory_space<vmem>>) target_semaphore(%arg20 : memref<!tpu.dma_semaphore, #tpu.memory_space<semaphore_mem>>)
    "tpu.region"() ({
      %run_scoped3A = tpu.sem_alloc : memref<!tpu.dma_semaphore, #tpu.memory_space<semaphore_mem>>
      %dma_start3A_257 = tpu.memref_slice %arg3[%mul3A_2] : memref<16384xf32, #tpu.memory_space<hbm>> -> memref<1024xf32, #tpu.memory_space<hbm>>
      %dma_start3A_258 = tpu.memref_slice %arg3[%mul3A_2] : memref<16384xf32, #tpu.memory_space<hbm>> -> memref<1024xf32, #tpu.memory_space<hbm>>
      tpu.enqueue_dma source(%dma_start3A_258 : memref<1024xf32, #tpu.memory_space<hbm>>) target(%arg10 : memref<1024xf32, #tpu.memory_space<vmem>>) target_semaphore(%run_scoped3A : memref<!tpu.dma_semaphore, #tpu.memory_space<semaphore_mem>>)
      %dma_wait3A_259 = tpu.memref_slice %arg3[%mul3A_2] : memref<16384xf32, #tpu.memory_space<hbm>> -> memref<1024xf32, #tpu.memory_space<hbm>>
      %dma_wait3A_260 = tpu.memref_slice %arg3[%mul3A_2] : memref<16384xf32, #tpu.memory_space<hbm>> -> memref<1024xf32, #tpu.memory_space<hbm>>
      tpu.wait_dma2 semaphore(%run_scoped3A : memref<!tpu.dma_semaphore, #tpu.memory_space<semaphore_mem>>) src(%dma_wait3A_260 : memref<1024xf32, #tpu.memory_space<hbm>>) dst(%arg10 : memref<1024xf32, #tpu.memory_space<vmem>>)
      tpu.yield
    }) : () -> ()
    %dma_wait3A = arith.constant 0 : i32
    %dma_wait3A_106 = tpu.memref_slice %arg11[%dma_wait3A] : memref<1024xf32, #tpu.memory_space<vmem>> -> memref<128xf32, #tpu.memory_space<vmem>>
    %dma_wait3A_107 = arith.constant 0 : i32
    %dma_wait3A_108 = tpu.memref_slice %arg9[%dma_wait3A_107] : memref<1024xi32, #tpu.memory_space<vmem>> -> memref<128xi32, #tpu.memory_space<vmem>>
    %dma_wait3A_109 = arith.constant 0 : i32
    %dma_wait3A_110 = tpu.memref_slice %arg5[%dma_wait3A_109] : memref<100000xf32, #tpu.memory_space<hbm>> -> memref<100000xf32, #tpu.memory_space<hbm>>
    tpu.wait_indirect_dma semaphore(%arg19 : memref<!tpu.dma_semaphore, #tpu.memory_space<semaphore_mem>>) src(%dma_wait3A_110 : memref<100000xf32, #tpu.memory_space<hbm>>) dst(%dma_wait3A_106 : memref<128xf32, #tpu.memory_space<vmem>>)
    %dma_wait3A_111 = arith.constant 0 : i32
    %dma_wait3A_112 = tpu.memref_slice %arg12[%dma_wait3A_111] : memref<1024xf32, #tpu.memory_space<vmem>> -> memref<128xf32, #tpu.memory_space<vmem>>
    %dma_wait3A_113 = arith.constant 0 : i32
    %dma_wait3A_114 = tpu.memref_slice %arg9[%dma_wait3A_113] : memref<1024xi32, #tpu.memory_space<vmem>> -> memref<128xi32, #tpu.memory_space<vmem>>
    %dma_wait3A_115 = arith.constant 0 : i32
    %dma_wait3A_116 = tpu.memref_slice %arg6[%dma_wait3A_115] : memref<100000xf32, #tpu.memory_space<hbm>> -> memref<100000xf32, #tpu.memory_space<hbm>>
    tpu.wait_indirect_dma semaphore(%arg19 : memref<!tpu.dma_semaphore, #tpu.memory_space<semaphore_mem>>) src(%dma_wait3A_116 : memref<100000xf32, #tpu.memory_space<hbm>>) dst(%dma_wait3A_112 : memref<128xf32, #tpu.memory_space<vmem>>)
    %dma_wait3A_117 = arith.constant 128 : i32
    %dma_wait3A_118 = tpu.memref_slice %arg11[%dma_wait3A_117] : memref<1024xf32, #tpu.memory_space<vmem>> -> memref<128xf32, #tpu.memory_space<vmem>>
    %dma_wait3A_119 = arith.constant 128 : i32
    %dma_wait3A_120 = tpu.memref_slice %arg9[%dma_wait3A_119] : memref<1024xi32, #tpu.memory_space<vmem>> -> memref<128xi32, #tpu.memory_space<vmem>>
    %dma_wait3A_121 = arith.constant 0 : i32
    %dma_wait3A_122 = tpu.memref_slice %arg5[%dma_wait3A_121] : memref<100000xf32, #tpu.memory_space<hbm>> -> memref<100000xf32, #tpu.memory_space<hbm>>
    tpu.wait_indirect_dma semaphore(%arg19 : memref<!tpu.dma_semaphore, #tpu.memory_space<semaphore_mem>>) src(%dma_wait3A_122 : memref<100000xf32, #tpu.memory_space<hbm>>) dst(%dma_wait3A_118 : memref<128xf32, #tpu.memory_space<vmem>>)
    %dma_wait3A_123 = arith.constant 128 : i32
    %dma_wait3A_124 = tpu.memref_slice %arg12[%dma_wait3A_123] : memref<1024xf32, #tpu.memory_space<vmem>> -> memref<128xf32, #tpu.memory_space<vmem>>
    %dma_wait3A_125 = arith.constant 128 : i32
    %dma_wait3A_126 = tpu.memref_slice %arg9[%dma_wait3A_125] : memref<1024xi32, #tpu.memory_space<vmem>> -> memref<128xi32, #tpu.memory_space<vmem>>
    %dma_wait3A_127 = arith.constant 0 : i32
    %dma_wait3A_128 = tpu.memref_slice %arg6[%dma_wait3A_127] : memref<100000xf32, #tpu.memory_space<hbm>> -> memref<100000xf32, #tpu.memory_space<hbm>>
    tpu.wait_indirect_dma semaphore(%arg19 : memref<!tpu.dma_semaphore, #tpu.memory_space<semaphore_mem>>) src(%dma_wait3A_128 : memref<100000xf32, #tpu.memory_space<hbm>>) dst(%dma_wait3A_124 : memref<128xf32, #tpu.memory_space<vmem>>)
    %dma_wait3A_129 = arith.constant 256 : i32
    %dma_wait3A_130 = tpu.memref_slice %arg11[%dma_wait3A_129] : memref<1024xf32, #tpu.memory_space<vmem>> -> memref<128xf32, #tpu.memory_space<vmem>>
    %dma_wait3A_131 = arith.constant 256 : i32
    %dma_wait3A_132 = tpu.memref_slice %arg9[%dma_wait3A_131] : memref<1024xi32, #tpu.memory_space<vmem>> -> memref<128xi32, #tpu.memory_space<vmem>>
    %dma_wait3A_133 = arith.constant 0 : i32
    %dma_wait3A_134 = tpu.memref_slice %arg5[%dma_wait3A_133] : memref<100000xf32, #tpu.memory_space<hbm>> -> memref<100000xf32, #tpu.memory_space<hbm>>
    tpu.wait_indirect_dma semaphore(%arg19 : memref<!tpu.dma_semaphore, #tpu.memory_space<semaphore_mem>>) src(%dma_wait3A_134 : memref<100000xf32, #tpu.memory_space<hbm>>) dst(%dma_wait3A_130 : memref<128xf32, #tpu.memory_space<vmem>>)
    %dma_wait3A_135 = arith.constant 256 : i32
    %dma_wait3A_136 = tpu.memref_slice %arg12[%dma_wait3A_135] : memref<1024xf32, #tpu.memory_space<vmem>> -> memref<128xf32, #tpu.memory_space<vmem>>
    %dma_wait3A_137 = arith.constant 256 : i32
    %dma_wait3A_138 = tpu.memref_slice %arg9[%dma_wait3A_137] : memref<1024xi32, #tpu.memory_space<vmem>> -> memref<128xi32, #tpu.memory_space<vmem>>
    %dma_wait3A_139 = arith.constant 0 : i32
    %dma_wait3A_140 = tpu.memref_slice %arg6[%dma_wait3A_139] : memref<100000xf32, #tpu.memory_space<hbm>> -> memref<100000xf32, #tpu.memory_space<hbm>>
    tpu.wait_indirect_dma semaphore(%arg19 : memref<!tpu.dma_semaphore, #tpu.memory_space<semaphore_mem>>) src(%dma_wait3A_140 : memref<100000xf32, #tpu.memory_space<hbm>>) dst(%dma_wait3A_136 : memref<128xf32, #tpu.memory_space<vmem>>)
    %dma_wait3A_141 = arith.constant 384 : i32
    %dma_wait3A_142 = tpu.memref_slice %arg11[%dma_wait3A_141] : memref<1024xf32, #tpu.memory_space<vmem>> -> memref<128xf32, #tpu.memory_space<vmem>>
    %dma_wait3A_143 = arith.constant 384 : i32
    %dma_wait3A_144 = tpu.memref_slice %arg9[%dma_wait3A_143] : memref<1024xi32, #tpu.memory_space<vmem>> -> memref<128xi32, #tpu.memory_space<vmem>>
    %dma_wait3A_145 = arith.constant 0 : i32
    %dma_wait3A_146 = tpu.memref_slice %arg5[%dma_wait3A_145] : memref<100000xf32, #tpu.memory_space<hbm>> -> memref<100000xf32, #tpu.memory_space<hbm>>
    tpu.wait_indirect_dma semaphore(%arg19 : memref<!tpu.dma_semaphore, #tpu.memory_space<semaphore_mem>>) src(%dma_wait3A_146 : memref<100000xf32, #tpu.memory_space<hbm>>) dst(%dma_wait3A_142 : memref<128xf32, #tpu.memory_space<vmem>>)
    %dma_wait3A_147 = arith.constant 384 : i32
    %dma_wait3A_148 = tpu.memref_slice %arg12[%dma_wait3A_147] : memref<1024xf32, #tpu.memory_space<vmem>> -> memref<128xf32, #tpu.memory_space<vmem>>
    %dma_wait3A_149 = arith.constant 384 : i32
    %dma_wait3A_150 = tpu.memref_slice %arg9[%dma_wait3A_149] : memref<1024xi32, #tpu.memory_space<vmem>> -> memref<128xi32, #tpu.memory_space<vmem>>
    %dma_wait3A_151 = arith.constant 0 : i32
    %dma_wait3A_152 = tpu.memref_slice %arg6[%dma_wait3A_151] : memref<100000xf32, #tpu.memory_space<hbm>> -> memref<100000xf32, #tpu.memory_space<hbm>>
    tpu.wait_indirect_dma semaphore(%arg19 : memref<!tpu.dma_semaphore, #tpu.memory_space<semaphore_mem>>) src(%dma_wait3A_152 : memref<100000xf32, #tpu.memory_space<hbm>>) dst(%dma_wait3A_148 : memref<128xf32, #tpu.memory_space<vmem>>)
    %dma_wait3A_153 = arith.constant 512 : i32
    %dma_wait3A_154 = tpu.memref_slice %arg11[%dma_wait3A_153] : memref<1024xf32, #tpu.memory_space<vmem>> -> memref<128xf32, #tpu.memory_space<vmem>>
    %dma_wait3A_155 = arith.constant 512 : i32
    %dma_wait3A_156 = tpu.memref_slice %arg9[%dma_wait3A_155] : memref<1024xi32, #tpu.memory_space<vmem>> -> memref<128xi32, #tpu.memory_space<vmem>>
    %dma_wait3A_157 = arith.constant 0 : i32
    %dma_wait3A_158 = tpu.memref_slice %arg5[%dma_wait3A_157] : memref<100000xf32, #tpu.memory_space<hbm>> -> memref<100000xf32, #tpu.memory_space<hbm>>
    tpu.wait_indirect_dma semaphore(%arg19 : memref<!tpu.dma_semaphore, #tpu.memory_space<semaphore_mem>>) src(%dma_wait3A_158 : memref<100000xf32, #tpu.memory_space<hbm>>) dst(%dma_wait3A_154 : memref<128xf32, #tpu.memory_space<vmem>>)
    %dma_wait3A_159 = arith.constant 512 : i32
    %dma_wait3A_160 = tpu.memref_slice %arg12[%dma_wait3A_159] : memref<1024xf32, #tpu.memory_space<vmem>> -> memref<128xf32, #tpu.memory_space<vmem>>
    %dma_wait3A_161 = arith.constant 512 : i32
    %dma_wait3A_162 = tpu.memref_slice %arg9[%dma_wait3A_161] : memref<1024xi32, #tpu.memory_space<vmem>> -> memref<128xi32, #tpu.memory_space<vmem>>
    %dma_wait3A_163 = arith.constant 0 : i32
    %dma_wait3A_164 = tpu.memref_slice %arg6[%dma_wait3A_163] : memref<100000xf32, #tpu.memory_space<hbm>> -> memref<100000xf32, #tpu.memory_space<hbm>>
    tpu.wait_indirect_dma semaphore(%arg19 : memref<!tpu.dma_semaphore, #tpu.memory_space<semaphore_mem>>) src(%dma_wait3A_164 : memref<100000xf32, #tpu.memory_space<hbm>>) dst(%dma_wait3A_160 : memref<128xf32, #tpu.memory_space<vmem>>)
    %dma_wait3A_165 = arith.constant 640 : i32
    %dma_wait3A_166 = tpu.memref_slice %arg11[%dma_wait3A_165] : memref<1024xf32, #tpu.memory_space<vmem>> -> memref<128xf32, #tpu.memory_space<vmem>>
    %dma_wait3A_167 = arith.constant 640 : i32
    %dma_wait3A_168 = tpu.memref_slice %arg9[%dma_wait3A_167] : memref<1024xi32, #tpu.memory_space<vmem>> -> memref<128xi32, #tpu.memory_space<vmem>>
    %dma_wait3A_169 = arith.constant 0 : i32
    %dma_wait3A_170 = tpu.memref_slice %arg5[%dma_wait3A_169] : memref<100000xf32, #tpu.memory_space<hbm>> -> memref<100000xf32, #tpu.memory_space<hbm>>
    tpu.wait_indirect_dma semaphore(%arg19 : memref<!tpu.dma_semaphore, #tpu.memory_space<semaphore_mem>>) src(%dma_wait3A_170 : memref<100000xf32, #tpu.memory_space<hbm>>) dst(%dma_wait3A_166 : memref<128xf32, #tpu.memory_space<vmem>>)
    %dma_wait3A_171 = arith.constant 640 : i32
    %dma_wait3A_172 = tpu.memref_slice %arg12[%dma_wait3A_171] : memref<1024xf32, #tpu.memory_space<vmem>> -> memref<128xf32, #tpu.memory_space<vmem>>
    %dma_wait3A_173 = arith.constant 640 : i32
    %dma_wait3A_174 = tpu.memref_slice %arg9[%dma_wait3A_173] : memref<1024xi32, #tpu.memory_space<vmem>> -> memref<128xi32, #tpu.memory_space<vmem>>
    %dma_wait3A_175 = arith.constant 0 : i32
    %dma_wait3A_176 = tpu.memref_slice %arg6[%dma_wait3A_175] : memref<100000xf32, #tpu.memory_space<hbm>> -> memref<100000xf32, #tpu.memory_space<hbm>>
    tpu.wait_indirect_dma semaphore(%arg19 : memref<!tpu.dma_semaphore, #tpu.memory_space<semaphore_mem>>) src(%dma_wait3A_176 : memref<100000xf32, #tpu.memory_space<hbm>>) dst(%dma_wait3A_172 : memref<128xf32, #tpu.memory_space<vmem>>)
    %dma_wait3A_177 = arith.constant 768 : i32
    %dma_wait3A_178 = tpu.memref_slice %arg11[%dma_wait3A_177] : memref<1024xf32, #tpu.memory_space<vmem>> -> memref<128xf32, #tpu.memory_space<vmem>>
    %dma_wait3A_179 = arith.constant 768 : i32
    %dma_wait3A_180 = tpu.memref_slice %arg9[%dma_wait3A_179] : memref<1024xi32, #tpu.memory_space<vmem>> -> memref<128xi32, #tpu.memory_space<vmem>>
    %dma_wait3A_181 = arith.constant 0 : i32
    %dma_wait3A_182 = tpu.memref_slice %arg5[%dma_wait3A_181] : memref<100000xf32, #tpu.memory_space<hbm>> -> memref<100000xf32, #tpu.memory_space<hbm>>
    tpu.wait_indirect_dma semaphore(%arg19 : memref<!tpu.dma_semaphore, #tpu.memory_space<semaphore_mem>>) src(%dma_wait3A_182 : memref<100000xf32, #tpu.memory_space<hbm>>) dst(%dma_wait3A_178 : memref<128xf32, #tpu.memory_space<vmem>>)
    %dma_wait3A_183 = arith.constant 768 : i32
    %dma_wait3A_184 = tpu.memref_slice %arg12[%dma_wait3A_183] : memref<1024xf32, #tpu.memory_space<vmem>> -> memref<128xf32, #tpu.memory_space<vmem>>
    %dma_wait3A_185 = arith.constant 768 : i32
    %dma_wait3A_186 = tpu.memref_slice %arg9[%dma_wait3A_185] : memref<1024xi32, #tpu.memory_space<vmem>> -> memref<128xi32, #tpu.memory_space<vmem>>
    %dma_wait3A_187 = arith.constant 0 : i32
    %dma_wait3A_188 = tpu.memref_slice %arg6[%dma_wait3A_187] : memref<100000xf32, #tpu.memory_space<hbm>> -> memref<100000xf32, #tpu.memory_space<hbm>>
    tpu.wait_indirect_dma semaphore(%arg19 : memref<!tpu.dma_semaphore, #tpu.memory_space<semaphore_mem>>) src(%dma_wait3A_188 : memref<100000xf32, #tpu.memory_space<hbm>>) dst(%dma_wait3A_184 : memref<128xf32, #tpu.memory_space<vmem>>)
    %dma_wait3A_189 = arith.constant 896 : i32
    %dma_wait3A_190 = tpu.memref_slice %arg11[%dma_wait3A_189] : memref<1024xf32, #tpu.memory_space<vmem>> -> memref<128xf32, #tpu.memory_space<vmem>>
    %dma_wait3A_191 = arith.constant 896 : i32
    %dma_wait3A_192 = tpu.memref_slice %arg9[%dma_wait3A_191] : memref<1024xi32, #tpu.memory_space<vmem>> -> memref<128xi32, #tpu.memory_space<vmem>>
    %dma_wait3A_193 = arith.constant 0 : i32
    %dma_wait3A_194 = tpu.memref_slice %arg5[%dma_wait3A_193] : memref<100000xf32, #tpu.memory_space<hbm>> -> memref<100000xf32, #tpu.memory_space<hbm>>
    tpu.wait_indirect_dma semaphore(%arg19 : memref<!tpu.dma_semaphore, #tpu.memory_space<semaphore_mem>>) src(%dma_wait3A_194 : memref<100000xf32, #tpu.memory_space<hbm>>) dst(%dma_wait3A_190 : memref<128xf32, #tpu.memory_space<vmem>>)
    %dma_wait3A_195 = arith.constant 896 : i32
    %dma_wait3A_196 = tpu.memref_slice %arg12[%dma_wait3A_195] : memref<1024xf32, #tpu.memory_space<vmem>> -> memref<128xf32, #tpu.memory_space<vmem>>
    %dma_wait3A_197 = arith.constant 896 : i32
    %dma_wait3A_198 = tpu.memref_slice %arg9[%dma_wait3A_197] : memref<1024xi32, #tpu.memory_space<vmem>> -> memref<128xi32, #tpu.memory_space<vmem>>
    %dma_wait3A_199 = arith.constant 0 : i32
    %dma_wait3A_200 = tpu.memref_slice %arg6[%dma_wait3A_199] : memref<100000xf32, #tpu.memory_space<hbm>> -> memref<100000xf32, #tpu.memory_space<hbm>>
    tpu.wait_indirect_dma semaphore(%arg19 : memref<!tpu.dma_semaphore, #tpu.memory_space<semaphore_mem>>) src(%dma_wait3A_200 : memref<100000xf32, #tpu.memory_space<hbm>>) dst(%dma_wait3A_196 : memref<128xf32, #tpu.memory_space<vmem>>)
    %parallel_loop3A = arith.constant 0 : i32
    %parallel_loop3A_201 = arith.constant 64 : i32
    %parallel_loop3A_202 = arith.constant 1 : i32
    scf.for %parallel_loop3A_257 = %parallel_loop3A to %parallel_loop3A_201 step %parallel_loop3A_202  : i32 {
      %parallel_loop3A_258 = arith.constant 16 : i32
      %parallel_loop3A_259 = arith.muli %parallel_loop3A_257, %parallel_loop3A_258 : i32
      %parallel_loop3A_260 = arith.index_cast %parallel_loop3A_259 : i32 to index
      %parallel_loop3A_261 = tpu.vector_load %arg10[%parallel_loop3A_260] {strides = array<i32>} : memref<1024xf32, #tpu.memory_space<vmem>>, vector<16xf32>,
      %parallel_loop3A_262 = arith.index_cast %parallel_loop3A_259 : i32 to index
      %parallel_loop3A_263 = tpu.vector_load %arg11[%parallel_loop3A_262] {strides = array<i32>} : memref<1024xf32, #tpu.memory_space<vmem>>, vector<16xf32>,
      %parallel_loop3A_264 = arith.index_cast %parallel_loop3A_259 : i32 to index
      %parallel_loop3A_265 = tpu.vector_load %arg12[%parallel_loop3A_264] {strides = array<i32>} : memref<1024xf32, #tpu.memory_space<vmem>>, vector<16xf32>,
      %parallel_loop3A_266 = arith.constant 2.000000e+00 : f32
      %parallel_loop3A_267 = vector.broadcast %parallel_loop3A_266 : f32 to vector<16xf32>
      %parallel_loop3A_268 = arith.addf %parallel_loop3A_261, %parallel_loop3A_267 : vector<16xf32>
      %parallel_loop3A_269 = arith.divf %parallel_loop3A_261, %parallel_loop3A_268 : vector<16xf32>
      %parallel_loop3A_270 = arith.mulf %parallel_loop3A_269, %parallel_loop3A_269 : vector<16xf32>
      %parallel_loop3A_271 = arith.constant 2.000000e+00 : f32
      %parallel_loop3A_272 = vector.broadcast %parallel_loop3A_271 : f32 to vector<16xf32>
      %parallel_loop3A_273 = arith.mulf %parallel_loop3A_272, %parallel_loop3A_269 : vector<16xf32>
      %parallel_loop3A_274 = arith.constant 0.111111112 : f32
      %parallel_loop3A_275 = vector.broadcast %parallel_loop3A_274 : f32 to vector<16xf32>
      %parallel_loop3A_276 = arith.mulf %parallel_loop3A_270, %parallel_loop3A_275 : vector<16xf32>
      %parallel_loop3A_277 = arith.constant 0.142857149 : f32
      %parallel_loop3A_278 = vector.broadcast %parallel_loop3A_277 : f32 to vector<16xf32>
      %parallel_loop3A_279 = arith.addf %parallel_loop3A_278, %parallel_loop3A_276 : vector<16xf32>
      %parallel_loop3A_280 = arith.mulf %parallel_loop3A_270, %parallel_loop3A_279 : vector<16xf32>
      %parallel_loop3A_281 = arith.constant 2.000000e-01 : f32
      %parallel_loop3A_282 = vector.broadcast %parallel_loop3A_281 : f32 to vector<16xf32>
      %parallel_loop3A_283 = arith.addf %parallel_loop3A_282, %parallel_loop3A_280 : vector<16xf32>
      %parallel_loop3A_284 = arith.mulf %parallel_loop3A_270, %parallel_loop3A_283 : vector<16xf32>
      %parallel_loop3A_285 = arith.constant 0.333333343 : f32
      %parallel_loop3A_286 = vector.broadcast %parallel_loop3A_285 : f32 to vector<16xf32>
      %parallel_loop3A_287 = arith.addf %parallel_loop3A_286, %parallel_loop3A_284 : vector<16xf32>
      %parallel_loop3A_288 = arith.mulf %parallel_loop3A_270, %parallel_loop3A_287 : vector<16xf32>
      %parallel_loop3A_289 = arith.constant 1.000000e+00 : f32
      %parallel_loop3A_290 = vector.broadcast %parallel_loop3A_289 : f32 to vector<16xf32>
      %parallel_loop3A_291 = arith.addf %parallel_loop3A_290, %parallel_loop3A_288 : vector<16xf32>
      %parallel_loop3A_292 = arith.mulf %parallel_loop3A_273, %parallel_loop3A_291 : vector<16xf32>
      %parallel_loop3A_293 = arith.mulf %parallel_loop3A_292, %parallel_loop3A_263 : vector<16xf32>
      %parallel_loop3A_294 = arith.addf %parallel_loop3A_293, %parallel_loop3A_265 : vector<16xf32>
      %parallel_loop3A_295 = arith.constant 0.000000e+00 : f32
      %parallel_loop3A_296 = vector.broadcast %parallel_loop3A_295 : f32 to vector<16xf32>
      %parallel_loop3A_297 = arith.subf %parallel_loop3A_296, %parallel_loop3A_294 : vector<16xf32>
      %parallel_loop3A_298 = math.exp %parallel_loop3A_297 : vector<16xf32>
      %parallel_loop3A_299 = arith.constant 1.000000e+00 : f32
      %parallel_loop3A_300 = vector.broadcast %parallel_loop3A_299 : f32 to vector<16xf32>
      %parallel_loop3A_301 = arith.addf %parallel_loop3A_300, %parallel_loop3A_298 : vector<16xf32>
      %parallel_loop3A_302 = arith.constant 1.000000e+00 : f32
      %parallel_loop3A_303 = vector.broadcast %parallel_loop3A_302 : f32 to vector<16xf32>
      %parallel_loop3A_304 = arith.divf %parallel_loop3A_303, %parallel_loop3A_301 : vector<16xf32>
      %parallel_loop3A_305 = arith.constant 0.000000e+00 : f32
      %parallel_loop3A_306 = vector.broadcast %parallel_loop3A_305 : f32 to vector<16xf32>
      %parallel_loop3A_307 = arith.subf %parallel_loop3A_306, %parallel_loop3A_265 : vector<16xf32>
      %parallel_loop3A_308 = math.exp %parallel_loop3A_307 : vector<16xf32>
      %parallel_loop3A_309 = arith.constant 1.000000e+00 : f32
      %parallel_loop3A_310 = vector.broadcast %parallel_loop3A_309 : f32 to vector<16xf32>
      %parallel_loop3A_311 = arith.addf %parallel_loop3A_310, %parallel_loop3A_308 : vector<16xf32>
      %parallel_loop3A_312 = arith.constant 1.000000e+00 : f32
      %parallel_loop3A_313 = vector.broadcast %parallel_loop3A_312 : f32 to vector<16xf32>
      %parallel_loop3A_314 = arith.divf %parallel_loop3A_313, %parallel_loop3A_311 : vector<16xf32>
      %parallel_loop3A_315 = arith.subf %parallel_loop3A_304, %parallel_loop3A_314 : vector<16xf32>
      %parallel_loop3A_316 = arith.index_cast %parallel_loop3A_259 : i32 to index
      %parallel_loop3A_317 = tpu.vector_load %arg13[%parallel_loop3A_316] {strides = array<i32>} : memref<1024xf32, #tpu.memory_space<vmem>>, vector<16xf32>,
      tpu.vector_store %arg13[%parallel_loop3A_316], %parallel_loop3A_315 {strides = array<i32>} : memref<1024xf32, #tpu.memory_space<vmem>>, vector<16xf32>,
    } {sc.loop_unroll_factor = 4 : i64, sc.parallel_access}
    "tpu.region"() ({
      %run_scoped3A = tpu.sem_alloc : memref<!tpu.dma_semaphore, #tpu.memory_space<semaphore_mem>>
      %dma_start3A_257 = tpu.memref_slice %arg18[%mul3A_2] : memref<16384xf32, #tpu.memory_space<vmem_shared>> -> memref<1024xf32, #tpu.memory_space<vmem_shared>>
      %dma_start3A_258 = tpu.memref_slice %arg18[%mul3A_2] : memref<16384xf32, #tpu.memory_space<vmem_shared>> -> memref<1024xf32, #tpu.memory_space<vmem_shared>>
      tpu.enqueue_dma source(%arg13 : memref<1024xf32, #tpu.memory_space<vmem>>) target(%dma_start3A_258 : memref<1024xf32, #tpu.memory_space<vmem_shared>>) target_semaphore(%run_scoped3A : memref<!tpu.dma_semaphore, #tpu.memory_space<semaphore_mem>>)
      %dma_wait3A_259 = tpu.memref_slice %arg18[%mul3A_2] : memref<16384xf32, #tpu.memory_space<vmem_shared>> -> memref<1024xf32, #tpu.memory_space<vmem_shared>>
      %dma_wait3A_260 = tpu.memref_slice %arg18[%mul3A_2] : memref<16384xf32, #tpu.memory_space<vmem_shared>> -> memref<1024xf32, #tpu.memory_space<vmem_shared>>
      tpu.wait_dma2 semaphore(%run_scoped3A : memref<!tpu.dma_semaphore, #tpu.memory_space<semaphore_mem>>) src(%arg13 : memref<1024xf32, #tpu.memory_space<vmem>>) dst(%dma_wait3A_260 : memref<1024xf32, #tpu.memory_space<vmem_shared>>)
      tpu.yield
    }) : () -> ()
    tpu.wait_dma2 semaphore(%arg20 : memref<!tpu.dma_semaphore, #tpu.memory_space<semaphore_mem>>) src(%arg2 : memref<16384xi32, #tpu.memory_space<hbm>>) dst(%arg8 : memref<16384xi32, #tpu.memory_space<vmem>>)
    %barrier3A = arith.constant 0 : index
    tpu.barrier barrier_id(%barrier3A)
    %mul3A_203 = arith.constant 2 : i32
    %mul3A_204 = arith.muli %add3A, %mul3A_203 : i32
    %add3A_205 = arith.constant 0 : i32
    %add3A_206 = arith.addi %mul3A_204, %add3A_205 : i32
    %dma_wait3A_207 = arith.constant 0 : i32
    %dma_wait3A_208 = tpu.memref_slice %arg4[%mul3A_99, %dma_wait3A_207] : memref<64x100000xf32, #tpu.memory_space<hbm>> -> memref<1x100000xf32, #tpu.memory_space<hbm>>
    %dma_wait3A_209 = tpu.memref_squeeze %dma_wait3A_208 : memref<1x100000xf32, #tpu.memory_space<hbm>> -> memref<100000xf32, #tpu.memory_space<hbm>>
    %dma_wait3A_210 = arith.constant 0 : i32
    %dma_wait3A_211 = tpu.memref_slice %arg4[%mul3A_99, %dma_wait3A_210] : memref<64x100000xf32, #tpu.memory_space<hbm>> -> memref<1x100000xf32, #tpu.memory_space<hbm>>
    %dma_wait3A_212 = tpu.memref_squeeze %dma_wait3A_211 : memref<1x100000xf32, #tpu.memory_space<hbm>> -> memref<100000xf32, #tpu.memory_space<hbm>>
    tpu.wait_dma2 semaphore(%arg20 : memref<!tpu.dma_semaphore, #tpu.memory_space<semaphore_mem>>) src(%dma_wait3A_212 : memref<100000xf32, #tpu.memory_space<hbm>>) dst(%arg14 : memref<100000xf32, #tpu.memory_space<vmem>>)
    %scan3A = arith.constant 0 : i32
    %scan3A_213 = arith.constant 0 : i32
    %scan3A_214 = arith.constant 4 : i32
    %scan3A_215 = arith.addi %scan3A_213, %scan3A_214 : i32
    %scan3A_216 = arith.constant 1 : i32
    %scan3A_217 = scf.for %scan3A_257 = %scan3A_213 to %scan3A_215 step %scan3A_216 iter_args(%scan3A_258 = %scan3A) -> (i32)  : i32 {
      %mul3A_259 = arith.constant 2 : i32
      %mul3A_260 = arith.muli %scan3A_257, %mul3A_259 : i32
      %add3A_261 = arith.constant 0 : i32
      %add3A_262 = arith.addi %mul3A_260, %add3A_261 : i32
      %mul3A_263 = arith.constant 2048 : i32
      %mul3A_264 = arith.muli %add3A_262, %mul3A_263 : i32
      "tpu.region"() ({
        %run_scoped3A = tpu.sem_alloc : memref<!tpu.dma_semaphore, #tpu.memory_space<semaphore_mem>>
        %dma_start3A_302 = tpu.memref_slice %arg18[%mul3A_264] : memref<16384xf32, #tpu.memory_space<vmem_shared>> -> memref<2048xf32, #tpu.memory_space<vmem_shared>>
        %dma_start3A_303 = tpu.memref_slice %arg18[%mul3A_264] : memref<16384xf32, #tpu.memory_space<vmem_shared>> -> memref<2048xf32, #tpu.memory_space<vmem_shared>>
        tpu.enqueue_dma source(%dma_start3A_303 : memref<2048xf32, #tpu.memory_space<vmem_shared>>) target(%arg15 : memref<2048xf32, #tpu.memory_space<vmem>>) target_semaphore(%run_scoped3A : memref<!tpu.dma_semaphore, #tpu.memory_space<semaphore_mem>>)
        %dma_wait3A_304 = tpu.memref_slice %arg18[%mul3A_264] : memref<16384xf32, #tpu.memory_space<vmem_shared>> -> memref<2048xf32, #tpu.memory_space<vmem_shared>>
        %dma_wait3A_305 = tpu.memref_slice %arg18[%mul3A_264] : memref<16384xf32, #tpu.memory_space<vmem_shared>> -> memref<2048xf32, #tpu.memory_space<vmem_shared>>
        tpu.wait_dma2 semaphore(%run_scoped3A : memref<!tpu.dma_semaphore, #tpu.memory_space<semaphore_mem>>) src(%dma_wait3A_305 : memref<2048xf32, #tpu.memory_space<vmem_shared>>) dst(%arg15 : memref<2048xf32, #tpu.memory_space<vmem>>)
        tpu.yield
      }) : () -> ()
      %add3A_265 = arith.constant 0 : i32
      %add3A_266 = arith.addi %scan3A_258, %add3A_265 : i32
      %ge3A = arith.constant 2 : i32
      %ge3A_267 = arith.cmpi sge, %add3A_266, %ge3A : i32
      %convert_element_type3A = arith.extui %ge3A_267 : i1 to i32
      %cond3A = arith.constant 0 : i32
      %cond3A_268 = arith.cmpi ne, %convert_element_type3A, %cond3A : i32
      scf.if %cond3A_268 {
        %dma_wait3A_302 = arith.constant 0 : i32
        %dma_wait3A_303 = tpu.memref_slice %arg7[%add3A_206, %dma_wait3A_302] : memref<64x16384xf32, #tpu.memory_space<hbm>> -> memref<1x2048xf32, #tpu.memory_space<hbm>>
        %dma_wait3A_304 = tpu.memref_squeeze %dma_wait3A_303 : memref<1x2048xf32, #tpu.memory_space<hbm>> -> memref<2048xf32, #tpu.memory_space<hbm>>
        %dma_wait3A_305 = arith.constant 0 : i32
        %dma_wait3A_306 = tpu.memref_slice %arg7[%add3A_206, %dma_wait3A_305] : memref<64x16384xf32, #tpu.memory_space<hbm>> -> memref<1x2048xf32, #tpu.memory_space<hbm>>
        %dma_wait3A_307 = tpu.memref_squeeze %dma_wait3A_306 : memref<1x2048xf32, #tpu.memory_space<hbm>> -> memref<2048xf32, #tpu.memory_space<hbm>>
        tpu.wait_dma2 semaphore(%arg21 : memref<!tpu.dma_semaphore, #tpu.memory_space<semaphore_mem>>) src(%dma_wait3A_307 : memref<2048xf32, #tpu.memory_space<hbm>>) dst(%arg16 : memref<2048xf32, #tpu.memory_space<vmem>>)
      } else {
      }
      %parallel_loop3A_269 = arith.constant 0 : i32
      %parallel_loop3A_270 = arith.constant 128 : i32
      %parallel_loop3A_271 = arith.constant 1 : i32
      scf.for %parallel_loop3A_302 = %parallel_loop3A_269 to %parallel_loop3A_270 step %parallel_loop3A_271  : i32 {
        %parallel_loop3A_303 = arith.constant 16 : i32
        %parallel_loop3A_304 = arith.muli %parallel_loop3A_302, %parallel_loop3A_303 : i32
        %parallel_loop3A_305 = arith.constant 2048 : i32
        %parallel_loop3A_306 = arith.muli %add3A_262, %parallel_loop3A_305 : i32
        %parallel_loop3A_307 = arith.constant 16 : i32
        %parallel_loop3A_308 = arith.muli %parallel_loop3A_302, %parallel_loop3A_307 : i32
        %parallel_loop3A_309 = arith.addi %parallel_loop3A_306, %parallel_loop3A_308 : i32
        %parallel_loop3A_310 = arith.index_cast %parallel_loop3A_309 : i32 to index
        %parallel_loop3A_311 = tpu.vector_load %arg8[%parallel_loop3A_310] {strides = array<i32>} : memref<16384xi32, #tpu.memory_space<vmem>>, vector<16xi32>,
        %parallel_loop3A_312 = tpu.vector_load_idx %arg14[%parallel_loop3A_311] : memref<100000xf32, #tpu.memory_space<vmem>>[vector<16xi32>], vector<16xf32>,
        %parallel_loop3A_313 = arith.index_cast %parallel_loop3A_304 : i32 to index
        %parallel_loop3A_314 = tpu.vector_load %arg15[%parallel_loop3A_313] {strides = array<i32>} : memref<2048xf32, #tpu.memory_space<vmem>>, vector<16xf32>,
        %parallel_loop3A_315 = arith.mulf %parallel_loop3A_312, %parallel_loop3A_314 : vector<16xf32>
        %parallel_loop3A_316 = arith.index_cast %parallel_loop3A_304 : i32 to index
        %parallel_loop3A_317 = tpu.vector_load %arg16[%parallel_loop3A_316] {strides = array<i32>} : memref<2048xf32, #tpu.memory_space<vmem>>, vector<16xf32>,
        tpu.vector_store %arg16[%parallel_loop3A_316], %parallel_loop3A_315 {strides = array<i32>} : memref<2048xf32, #tpu.memory_space<vmem>>, vector<16xf32>,
      } {sc.loop_unroll_factor = 16 : i64, sc.parallel_access}
      %mul3A_272 = arith.constant 2048 : i32
      %mul3A_273 = arith.muli %add3A_262, %mul3A_272 : i32
      %dma_start3A_274 = tpu.memref_slice %arg7[%add3A_206, %mul3A_273] : memref<64x16384xf32, #tpu.memory_space<hbm>> -> memref<1x2048xf32, #tpu.memory_space<hbm>>
      %dma_start3A_275 = tpu.memref_squeeze %dma_start3A_274 : memref<1x2048xf32, #tpu.memory_space<hbm>> -> memref<2048xf32, #tpu.memory_space<hbm>>
      %dma_start3A_276 = tpu.memref_slice %arg7[%add3A_206, %mul3A_273] : memref<64x16384xf32, #tpu.memory_space<hbm>> -> memref<1x2048xf32, #tpu.memory_space<hbm>>
      %dma_start3A_277 = tpu.memref_squeeze %dma_start3A_276 : memref<1x2048xf32, #tpu.memory_space<hbm>> -> memref<2048xf32, #tpu.memory_space<hbm>>
      tpu.enqueue_dma source(%arg16 : memref<2048xf32, #tpu.memory_space<vmem>>) target(%dma_start3A_277 : memref<2048xf32, #tpu.memory_space<hbm>>) target_semaphore(%arg21 : memref<!tpu.dma_semaphore, #tpu.memory_space<semaphore_mem>>)
      %mul3A_278 = arith.constant 2 : i32
      %mul3A_279 = arith.muli %scan3A_257, %mul3A_278 : i32
      %add3A_280 = arith.constant 1 : i32
      %add3A_281 = arith.addi %mul3A_279, %add3A_280 : i32
      %mul3A_282 = arith.constant 2048 : i32
      %mul3A_283 = arith.muli %add3A_281, %mul3A_282 : i32
      "tpu.region"() ({
        %run_scoped3A = tpu.sem_alloc : memref<!tpu.dma_semaphore, #tpu.memory_space<semaphore_mem>>
        %dma_start3A_302 = tpu.memref_slice %arg18[%mul3A_283] : memref<16384xf32, #tpu.memory_space<vmem_shared>> -> memref<2048xf32, #tpu.memory_space<vmem_shared>>
        %dma_start3A_303 = tpu.memref_slice %arg18[%mul3A_283] : memref<16384xf32, #tpu.memory_space<vmem_shared>> -> memref<2048xf32, #tpu.memory_space<vmem_shared>>
        tpu.enqueue_dma source(%dma_start3A_303 : memref<2048xf32, #tpu.memory_space<vmem_shared>>) target(%arg15 : memref<2048xf32, #tpu.memory_space<vmem>>) target_semaphore(%run_scoped3A : memref<!tpu.dma_semaphore, #tpu.memory_space<semaphore_mem>>)
        %dma_wait3A_304 = tpu.memref_slice %arg18[%mul3A_283] : memref<16384xf32, #tpu.memory_space<vmem_shared>> -> memref<2048xf32, #tpu.memory_space<vmem_shared>>
        %dma_wait3A_305 = tpu.memref_slice %arg18[%mul3A_283] : memref<16384xf32, #tpu.memory_space<vmem_shared>> -> memref<2048xf32, #tpu.memory_space<vmem_shared>>
        tpu.wait_dma2 semaphore(%run_scoped3A : memref<!tpu.dma_semaphore, #tpu.memory_space<semaphore_mem>>) src(%dma_wait3A_305 : memref<2048xf32, #tpu.memory_space<vmem_shared>>) dst(%arg15 : memref<2048xf32, #tpu.memory_space<vmem>>)
        tpu.yield
      }) : () -> ()
      %add3A_284 = arith.constant 1 : i32
      %add3A_285 = arith.addi %scan3A_258, %add3A_284 : i32
      %ge3A_286 = arith.constant 2 : i32
      %ge3A_287 = arith.cmpi sge, %add3A_285, %ge3A_286 : i32
      %convert_element_type3A_288 = arith.extui %ge3A_287 : i1 to i32
      %cond3A_289 = arith.constant 0 : i32
      %cond3A_290 = arith.cmpi ne, %convert_element_type3A_288, %cond3A_289 : i32
      scf.if %cond3A_290 {
        %dma_wait3A_302 = arith.constant 0 : i32
        %dma_wait3A_303 = tpu.memref_slice %arg7[%add3A_206, %dma_wait3A_302] : memref<64x16384xf32, #tpu.memory_space<hbm>> -> memref<1x2048xf32, #tpu.memory_space<hbm>>
        %dma_wait3A_304 = tpu.memref_squeeze %dma_wait3A_303 : memref<1x2048xf32, #tpu.memory_space<hbm>> -> memref<2048xf32, #tpu.memory_space<hbm>>
        %dma_wait3A_305 = arith.constant 0 : i32
        %dma_wait3A_306 = tpu.memref_slice %arg7[%add3A_206, %dma_wait3A_305] : memref<64x16384xf32, #tpu.memory_space<hbm>> -> memref<1x2048xf32, #tpu.memory_space<hbm>>
        %dma_wait3A_307 = tpu.memref_squeeze %dma_wait3A_306 : memref<1x2048xf32, #tpu.memory_space<hbm>> -> memref<2048xf32, #tpu.memory_space<hbm>>
        tpu.wait_dma2 semaphore(%arg21 : memref<!tpu.dma_semaphore, #tpu.memory_space<semaphore_mem>>) src(%dma_wait3A_307 : memref<2048xf32, #tpu.memory_space<hbm>>) dst(%arg17 : memref<2048xf32, #tpu.memory_space<vmem>>)
      } else {
      }
      %parallel_loop3A_291 = arith.constant 0 : i32
      %parallel_loop3A_292 = arith.constant 128 : i32
      %parallel_loop3A_293 = arith.constant 1 : i32
      scf.for %parallel_loop3A_302 = %parallel_loop3A_291 to %parallel_loop3A_292 step %parallel_loop3A_293  : i32 {
        %parallel_loop3A_303 = arith.constant 16 : i32
        %parallel_loop3A_304 = arith.muli %parallel_loop3A_302, %parallel_loop3A_303 : i32
        %parallel_loop3A_305 = arith.constant 2048 : i32
        %parallel_loop3A_306 = arith.muli %add3A_281, %parallel_loop3A_305 : i32
        %parallel_loop3A_307 = arith.constant 16 : i32
        %parallel_loop3A_308 = arith.muli %parallel_loop3A_302, %parallel_loop3A_307 : i32
        %parallel_loop3A_309 = arith.addi %parallel_loop3A_306, %parallel_loop3A_308 : i32
        %parallel_loop3A_310 = arith.index_cast %parallel_loop3A_309 : i32 to index
        %parallel_loop3A_311 = tpu.vector_load %arg8[%parallel_loop3A_310] {strides = array<i32>} : memref<16384xi32, #tpu.memory_space<vmem>>, vector<16xi32>,
        %parallel_loop3A_312 = tpu.vector_load_idx %arg14[%parallel_loop3A_311] : memref<100000xf32, #tpu.memory_space<vmem>>[vector<16xi32>], vector<16xf32>,
        %parallel_loop3A_313 = arith.index_cast %parallel_loop3A_304 : i32 to index
        %parallel_loop3A_314 = tpu.vector_load %arg15[%parallel_loop3A_313] {strides = array<i32>} : memref<2048xf32, #tpu.memory_space<vmem>>, vector<16xf32>,
        %parallel_loop3A_315 = arith.mulf %parallel_loop3A_312, %parallel_loop3A_314 : vector<16xf32>
        %parallel_loop3A_316 = arith.index_cast %parallel_loop3A_304 : i32 to index
        %parallel_loop3A_317 = tpu.vector_load %arg17[%parallel_loop3A_316] {strides = array<i32>} : memref<2048xf32, #tpu.memory_space<vmem>>, vector<16xf32>,
        tpu.vector_store %arg17[%parallel_loop3A_316], %parallel_loop3A_315 {strides = array<i32>} : memref<2048xf32, #tpu.memory_space<vmem>>, vector<16xf32>,
      } {sc.loop_unroll_factor = 16 : i64, sc.parallel_access}
      %mul3A_294 = arith.constant 2048 : i32
      %mul3A_295 = arith.muli %add3A_281, %mul3A_294 : i32
      %dma_start3A_296 = tpu.memref_slice %arg7[%add3A_206, %mul3A_295] : memref<64x16384xf32, #tpu.memory_space<hbm>> -> memref<1x2048xf32, #tpu.memory_space<hbm>>
      %dma_start3A_297 = tpu.memref_squeeze %dma_start3A_296 : memref<1x2048xf32, #tpu.memory_space<hbm>> -> memref<2048xf32, #tpu.memory_space<hbm>>
      %dma_start3A_298 = tpu.memref_slice %arg7[%add3A_206, %mul3A_295] : memref<64x16384xf32, #tpu.memory_space<hbm>> -> memref<1x2048xf32, #tpu.memory_space<hbm>>
      %dma_start3A_299 = tpu.memref_squeeze %dma_start3A_298 : memref<1x2048xf32, #tpu.memory_space<hbm>> -> memref<2048xf32, #tpu.memory_space<hbm>>
      tpu.enqueue_dma source(%arg17 : memref<2048xf32, #tpu.memory_space<vmem>>) target(%dma_start3A_299 : memref<2048xf32, #tpu.memory_space<hbm>>) target_semaphore(%arg21 : memref<!tpu.dma_semaphore, #tpu.memory_space<semaphore_mem>>)
      %add3A_300 = arith.constant 2 : i32
      %add3A_301 = arith.addi %scan3A_258, %add3A_300 : i32
      scf.yield %add3A_301 : i32
    }
    %scan3A_218 = arith.constant 4 : i32
    %add3A_219 = arith.constant 1 : i32
    %add3A_220 = arith.addi %add3A_206, %add3A_219 : i32
    %dma_start3A_221 = arith.constant 0 : i32
    %dma_start3A_222 = tpu.memref_slice %arg4[%add3A_220, %dma_start3A_221] : memref<64x100000xf32, #tpu.memory_space<hbm>> -> memref<1x100000xf32, #tpu.memory_space<hbm>>
    %dma_start3A_223 = tpu.memref_squeeze %dma_start3A_222 : memref<1x100000xf32, #tpu.memory_space<hbm>> -> memref<100000xf32, #tpu.memory_space<hbm>>
    %dma_start3A_224 = arith.constant 0 : i32
    %dma_start3A_225 = tpu.memref_slice %arg4[%add3A_220, %dma_start3A_224] : memref<64x100000xf32, #tpu.memory_space<hbm>> -> memref<1x100000xf32, #tpu.memory_space<hbm>>
    %dma_start3A_226 = tpu.memref_squeeze %dma_start3A_225 : memref<1x100000xf32, #tpu.memory_space<hbm>> -> memref<100000xf32, #tpu.memory_space<hbm>>
    tpu.enqueue_dma source(%dma_start3A_226 : memref<100000xf32, #tpu.memory_space<hbm>>) target(%arg14 : memref<100000xf32, #tpu.memory_space<vmem>>) target_semaphore(%arg20 : memref<!tpu.dma_semaphore, #tpu.memory_space<semaphore_mem>>)
    %mul3A_227 = arith.constant 2 : i32
    %mul3A_228 = arith.muli %add3A, %mul3A_227 : i32
    %add3A_229 = arith.constant 1 : i32
    %add3A_230 = arith.addi %mul3A_228, %add3A_229 : i32
    %dma_wait3A_231 = arith.constant 0 : i32
    %dma_wait3A_232 = tpu.memref_slice %arg4[%add3A_220, %dma_wait3A_231] : memref<64x100000xf32, #tpu.memory_space<hbm>> -> memref<1x100000xf32, #tpu.memory_space<hbm>>
    %dma_wait3A_233 = tpu.memref_squeeze %dma_wait3A_232 : memref<1x100000xf32, #tpu.memory_space<hbm>> -> memref<100000xf32, #tpu.memory_space<hbm>>
    %dma_wait3A_234 = arith.constant 0 : i32
    %dma_wait3A_235 = tpu.memref_slice %arg4[%add3A_220, %dma_wait3A_234] : memref<64x100000xf32, #tpu.memory_space<hbm>> -> memref<1x100000xf32, #tpu.memory_space<hbm>>
    %dma_wait3A_236 = tpu.memref_squeeze %dma_wait3A_235 : memref<1x100000xf32, #tpu.memory_space<hbm>> -> memref<100000xf32, #tpu.memory_space<hbm>>
    tpu.wait_dma2 semaphore(%arg20 : memref<!tpu.dma_semaphore, #tpu.memory_space<semaphore_mem>>) src(%dma_wait3A_236 : memref<100000xf32, #tpu.memory_space<hbm>>) dst(%arg14 : memref<100000xf32, #tpu.memory_space<vmem>>)
    %scan3A_237 = arith.constant 0 : i32
    %scan3A_238 = arith.constant 4 : i32
    %scan3A_239 = arith.addi %scan3A_237, %scan3A_238 : i32
    %scan3A_240 = arith.constant 1 : i32
    %scan3A_241 = scf.for %scan3A_257 = %scan3A_237 to %scan3A_239 step %scan3A_240 iter_args(%scan3A_258 = %scan3A_217) -> (i32)  : i32 {
      %mul3A_259 = arith.constant 2 : i32
      %mul3A_260 = arith.muli %scan3A_257, %mul3A_259 : i32
      %add3A_261 = arith.constant 0 : i32
      %add3A_262 = arith.addi %mul3A_260, %add3A_261 : i32
      %mul3A_263 = arith.constant 2048 : i32
      %mul3A_264 = arith.muli %add3A_262, %mul3A_263 : i32
      "tpu.region"() ({
        %run_scoped3A = tpu.sem_alloc : memref<!tpu.dma_semaphore, #tpu.memory_space<semaphore_mem>>
        %dma_start3A_302 = tpu.memref_slice %arg18[%mul3A_264] : memref<16384xf32, #tpu.memory_space<vmem_shared>> -> memref<2048xf32, #tpu.memory_space<vmem_shared>>
        %dma_start3A_303 = tpu.memref_slice %arg18[%mul3A_264] : memref<16384xf32, #tpu.memory_space<vmem_shared>> -> memref<2048xf32, #tpu.memory_space<vmem_shared>>
        tpu.enqueue_dma source(%dma_start3A_303 : memref<2048xf32, #tpu.memory_space<vmem_shared>>) target(%arg15 : memref<2048xf32, #tpu.memory_space<vmem>>) target_semaphore(%run_scoped3A : memref<!tpu.dma_semaphore, #tpu.memory_space<semaphore_mem>>)
        %dma_wait3A_304 = tpu.memref_slice %arg18[%mul3A_264] : memref<16384xf32, #tpu.memory_space<vmem_shared>> -> memref<2048xf32, #tpu.memory_space<vmem_shared>>
        %dma_wait3A_305 = tpu.memref_slice %arg18[%mul3A_264] : memref<16384xf32, #tpu.memory_space<vmem_shared>> -> memref<2048xf32, #tpu.memory_space<vmem_shared>>
        tpu.wait_dma2 semaphore(%run_scoped3A : memref<!tpu.dma_semaphore, #tpu.memory_space<semaphore_mem>>) src(%dma_wait3A_305 : memref<2048xf32, #tpu.memory_space<vmem_shared>>) dst(%arg15 : memref<2048xf32, #tpu.memory_space<vmem>>)
        tpu.yield
      }) : () -> ()
      %add3A_265 = arith.constant 0 : i32
      %add3A_266 = arith.addi %scan3A_258, %add3A_265 : i32
      %ge3A = arith.constant 2 : i32
      %ge3A_267 = arith.cmpi sge, %add3A_266, %ge3A : i32
      %convert_element_type3A = arith.extui %ge3A_267 : i1 to i32
      %cond3A = arith.constant 0 : i32
      %cond3A_268 = arith.cmpi ne, %convert_element_type3A, %cond3A : i32
      scf.if %cond3A_268 {
        %dma_wait3A_302 = arith.constant 0 : i32
        %dma_wait3A_303 = tpu.memref_slice %arg7[%add3A_230, %dma_wait3A_302] : memref<64x16384xf32, #tpu.memory_space<hbm>> -> memref<1x2048xf32, #tpu.memory_space<hbm>>
        %dma_wait3A_304 = tpu.memref_squeeze %dma_wait3A_303 : memref<1x2048xf32, #tpu.memory_space<hbm>> -> memref<2048xf32, #tpu.memory_space<hbm>>
        %dma_wait3A_305 = arith.constant 0 : i32
        %dma_wait3A_306 = tpu.memref_slice %arg7[%add3A_230, %dma_wait3A_305] : memref<64x16384xf32, #tpu.memory_space<hbm>> -> memref<1x2048xf32, #tpu.memory_space<hbm>>
        %dma_wait3A_307 = tpu.memref_squeeze %dma_wait3A_306 : memref<1x2048xf32, #tpu.memory_space<hbm>> -> memref<2048xf32, #tpu.memory_space<hbm>>
        tpu.wait_dma2 semaphore(%arg21 : memref<!tpu.dma_semaphore, #tpu.memory_space<semaphore_mem>>) src(%dma_wait3A_307 : memref<2048xf32, #tpu.memory_space<hbm>>) dst(%arg16 : memref<2048xf32, #tpu.memory_space<vmem>>)
      } else {
      }
      %parallel_loop3A_269 = arith.constant 0 : i32
      %parallel_loop3A_270 = arith.constant 128 : i32
      %parallel_loop3A_271 = arith.constant 1 : i32
      scf.for %parallel_loop3A_302 = %parallel_loop3A_269 to %parallel_loop3A_270 step %parallel_loop3A_271  : i32 {
        %parallel_loop3A_303 = arith.constant 16 : i32
        %parallel_loop3A_304 = arith.muli %parallel_loop3A_302, %parallel_loop3A_303 : i32
        %parallel_loop3A_305 = arith.constant 2048 : i32
        %parallel_loop3A_306 = arith.muli %add3A_262, %parallel_loop3A_305 : i32
        %parallel_loop3A_307 = arith.constant 16 : i32
        %parallel_loop3A_308 = arith.muli %parallel_loop3A_302, %parallel_loop3A_307 : i32
        %parallel_loop3A_309 = arith.addi %parallel_loop3A_306, %parallel_loop3A_308 : i32
        %parallel_loop3A_310 = arith.index_cast %parallel_loop3A_309 : i32 to index
        %parallel_loop3A_311 = tpu.vector_load %arg8[%parallel_loop3A_310] {strides = array<i32>} : memref<16384xi32, #tpu.memory_space<vmem>>, vector<16xi32>,
        %parallel_loop3A_312 = tpu.vector_load_idx %arg14[%parallel_loop3A_311] : memref<100000xf32, #tpu.memory_space<vmem>>[vector<16xi32>], vector<16xf32>,
        %parallel_loop3A_313 = arith.index_cast %parallel_loop3A_304 : i32 to index
        %parallel_loop3A_314 = tpu.vector_load %arg15[%parallel_loop3A_313] {strides = array<i32>} : memref<2048xf32, #tpu.memory_space<vmem>>, vector<16xf32>,
        %parallel_loop3A_315 = arith.mulf %parallel_loop3A_312, %parallel_loop3A_314 : vector<16xf32>
        %parallel_loop3A_316 = arith.index_cast %parallel_loop3A_304 : i32 to index
        %parallel_loop3A_317 = tpu.vector_load %arg16[%parallel_loop3A_316] {strides = array<i32>} : memref<2048xf32, #tpu.memory_space<vmem>>, vector<16xf32>,
        tpu.vector_store %arg16[%parallel_loop3A_316], %parallel_loop3A_315 {strides = array<i32>} : memref<2048xf32, #tpu.memory_space<vmem>>, vector<16xf32>,
      } {sc.loop_unroll_factor = 16 : i64, sc.parallel_access}
      %mul3A_272 = arith.constant 2048 : i32
      %mul3A_273 = arith.muli %add3A_262, %mul3A_272 : i32
      %dma_start3A_274 = tpu.memref_slice %arg7[%add3A_230, %mul3A_273] : memref<64x16384xf32, #tpu.memory_space<hbm>> -> memref<1x2048xf32, #tpu.memory_space<hbm>>
      %dma_start3A_275 = tpu.memref_squeeze %dma_start3A_274 : memref<1x2048xf32, #tpu.memory_space<hbm>> -> memref<2048xf32, #tpu.memory_space<hbm>>
      %dma_start3A_276 = tpu.memref_slice %arg7[%add3A_230, %mul3A_273] : memref<64x16384xf32, #tpu.memory_space<hbm>> -> memref<1x2048xf32, #tpu.memory_space<hbm>>
      %dma_start3A_277 = tpu.memref_squeeze %dma_start3A_276 : memref<1x2048xf32, #tpu.memory_space<hbm>> -> memref<2048xf32, #tpu.memory_space<hbm>>
      tpu.enqueue_dma source(%arg16 : memref<2048xf32, #tpu.memory_space<vmem>>) target(%dma_start3A_277 : memref<2048xf32, #tpu.memory_space<hbm>>) target_semaphore(%arg21 : memref<!tpu.dma_semaphore, #tpu.memory_space<semaphore_mem>>)
      %mul3A_278 = arith.constant 2 : i32
      %mul3A_279 = arith.muli %scan3A_257, %mul3A_278 : i32
      %add3A_280 = arith.constant 1 : i32
      %add3A_281 = arith.addi %mul3A_279, %add3A_280 : i32
      %mul3A_282 = arith.constant 2048 : i32
      %mul3A_283 = arith.muli %add3A_281, %mul3A_282 : i32
      "tpu.region"() ({
        %run_scoped3A = tpu.sem_alloc : memref<!tpu.dma_semaphore, #tpu.memory_space<semaphore_mem>>
        %dma_start3A_302 = tpu.memref_slice %arg18[%mul3A_283] : memref<16384xf32, #tpu.memory_space<vmem_shared>> -> memref<2048xf32, #tpu.memory_space<vmem_shared>>
        %dma_start3A_303 = tpu.memref_slice %arg18[%mul3A_283] : memref<16384xf32, #tpu.memory_space<vmem_shared>> -> memref<2048xf32, #tpu.memory_space<vmem_shared>>
        tpu.enqueue_dma source(%dma_start3A_303 : memref<2048xf32, #tpu.memory_space<vmem_shared>>) target(%arg15 : memref<2048xf32, #tpu.memory_space<vmem>>) target_semaphore(%run_scoped3A : memref<!tpu.dma_semaphore, #tpu.memory_space<semaphore_mem>>)
        %dma_wait3A_304 = tpu.memref_slice %arg18[%mul3A_283] : memref<16384xf32, #tpu.memory_space<vmem_shared>> -> memref<2048xf32, #tpu.memory_space<vmem_shared>>
        %dma_wait3A_305 = tpu.memref_slice %arg18[%mul3A_283] : memref<16384xf32, #tpu.memory_space<vmem_shared>> -> memref<2048xf32, #tpu.memory_space<vmem_shared>>
        tpu.wait_dma2 semaphore(%run_scoped3A : memref<!tpu.dma_semaphore, #tpu.memory_space<semaphore_mem>>) src(%dma_wait3A_305 : memref<2048xf32, #tpu.memory_space<vmem_shared>>) dst(%arg15 : memref<2048xf32, #tpu.memory_space<vmem>>)
        tpu.yield
      }) : () -> ()
      %add3A_284 = arith.constant 1 : i32
      %add3A_285 = arith.addi %scan3A_258, %add3A_284 : i32
      %ge3A_286 = arith.constant 2 : i32
      %ge3A_287 = arith.cmpi sge, %add3A_285, %ge3A_286 : i32
      %convert_element_type3A_288 = arith.extui %ge3A_287 : i1 to i32
      %cond3A_289 = arith.constant 0 : i32
      %cond3A_290 = arith.cmpi ne, %convert_element_type3A_288, %cond3A_289 : i32
      scf.if %cond3A_290 {
        %dma_wait3A_302 = arith.constant 0 : i32
        %dma_wait3A_303 = tpu.memref_slice %arg7[%add3A_230, %dma_wait3A_302] : memref<64x16384xf32, #tpu.memory_space<hbm>> -> memref<1x2048xf32, #tpu.memory_space<hbm>>
        %dma_wait3A_304 = tpu.memref_squeeze %dma_wait3A_303 : memref<1x2048xf32, #tpu.memory_space<hbm>> -> memref<2048xf32, #tpu.memory_space<hbm>>
        %dma_wait3A_305 = arith.constant 0 : i32
        %dma_wait3A_306 = tpu.memref_slice %arg7[%add3A_230, %dma_wait3A_305] : memref<64x16384xf32, #tpu.memory_space<hbm>> -> memref<1x2048xf32, #tpu.memory_space<hbm>>
        %dma_wait3A_307 = tpu.memref_squeeze %dma_wait3A_306 : memref<1x2048xf32, #tpu.memory_space<hbm>> -> memref<2048xf32, #tpu.memory_space<hbm>>
        tpu.wait_dma2 semaphore(%arg21 : memref<!tpu.dma_semaphore, #tpu.memory_space<semaphore_mem>>) src(%dma_wait3A_307 : memref<2048xf32, #tpu.memory_space<hbm>>) dst(%arg17 : memref<2048xf32, #tpu.memory_space<vmem>>)
      } else {
      }
      %parallel_loop3A_291 = arith.constant 0 : i32
      %parallel_loop3A_292 = arith.constant 128 : i32
      %parallel_loop3A_293 = arith.constant 1 : i32
      scf.for %parallel_loop3A_302 = %parallel_loop3A_291 to %parallel_loop3A_292 step %parallel_loop3A_293  : i32 {
        %parallel_loop3A_303 = arith.constant 16 : i32
        %parallel_loop3A_304 = arith.muli %parallel_loop3A_302, %parallel_loop3A_303 : i32
        %parallel_loop3A_305 = arith.constant 2048 : i32
        %parallel_loop3A_306 = arith.muli %add3A_281, %parallel_loop3A_305 : i32
        %parallel_loop3A_307 = arith.constant 16 : i32
        %parallel_loop3A_308 = arith.muli %parallel_loop3A_302, %parallel_loop3A_307 : i32
        %parallel_loop3A_309 = arith.addi %parallel_loop3A_306, %parallel_loop3A_308 : i32
        %parallel_loop3A_310 = arith.index_cast %parallel_loop3A_309 : i32 to index
        %parallel_loop3A_311 = tpu.vector_load %arg8[%parallel_loop3A_310] {strides = array<i32>} : memref<16384xi32, #tpu.memory_space<vmem>>, vector<16xi32>,
        %parallel_loop3A_312 = tpu.vector_load_idx %arg14[%parallel_loop3A_311] : memref<100000xf32, #tpu.memory_space<vmem>>[vector<16xi32>], vector<16xf32>,
        %parallel_loop3A_313 = arith.index_cast %parallel_loop3A_304 : i32 to index
        %parallel_loop3A_314 = tpu.vector_load %arg15[%parallel_loop3A_313] {strides = array<i32>} : memref<2048xf32, #tpu.memory_space<vmem>>, vector<16xf32>,
        %parallel_loop3A_315 = arith.mulf %parallel_loop3A_312, %parallel_loop3A_314 : vector<16xf32>
        %parallel_loop3A_316 = arith.index_cast %parallel_loop3A_304 : i32 to index
        %parallel_loop3A_317 = tpu.vector_load %arg17[%parallel_loop3A_316] {strides = array<i32>} : memref<2048xf32, #tpu.memory_space<vmem>>, vector<16xf32>,
        tpu.vector_store %arg17[%parallel_loop3A_316], %parallel_loop3A_315 {strides = array<i32>} : memref<2048xf32, #tpu.memory_space<vmem>>, vector<16xf32>,
      } {sc.loop_unroll_factor = 16 : i64, sc.parallel_access}
      %mul3A_294 = arith.constant 2048 : i32
      %mul3A_295 = arith.muli %add3A_281, %mul3A_294 : i32
      %dma_start3A_296 = tpu.memref_slice %arg7[%add3A_230, %mul3A_295] : memref<64x16384xf32, #tpu.memory_space<hbm>> -> memref<1x2048xf32, #tpu.memory_space<hbm>>
      %dma_start3A_297 = tpu.memref_squeeze %dma_start3A_296 : memref<1x2048xf32, #tpu.memory_space<hbm>> -> memref<2048xf32, #tpu.memory_space<hbm>>
      %dma_start3A_298 = tpu.memref_slice %arg7[%add3A_230, %mul3A_295] : memref<64x16384xf32, #tpu.memory_space<hbm>> -> memref<1x2048xf32, #tpu.memory_space<hbm>>
      %dma_start3A_299 = tpu.memref_squeeze %dma_start3A_298 : memref<1x2048xf32, #tpu.memory_space<hbm>> -> memref<2048xf32, #tpu.memory_space<hbm>>
      tpu.enqueue_dma source(%arg17 : memref<2048xf32, #tpu.memory_space<vmem>>) target(%dma_start3A_299 : memref<2048xf32, #tpu.memory_space<hbm>>) target_semaphore(%arg21 : memref<!tpu.dma_semaphore, #tpu.memory_space<semaphore_mem>>)
      %add3A_300 = arith.constant 2 : i32
      %add3A_301 = arith.addi %scan3A_258, %add3A_300 : i32
      scf.yield %add3A_301 : i32
    }
    %scan3A_242 = arith.constant 4 : i32
    %dma_wait3A_243 = arith.constant 0 : i32
    %dma_wait3A_244 = arith.constant 0 : i32
    %dma_wait3A_245 = tpu.memref_slice %arg7[%dma_wait3A_243, %dma_wait3A_244] : memref<64x16384xf32, #tpu.memory_space<hbm>> -> memref<1x2048xf32, #tpu.memory_space<hbm>>
    %dma_wait3A_246 = tpu.memref_squeeze %dma_wait3A_245 : memref<1x2048xf32, #tpu.memory_space<hbm>> -> memref<2048xf32, #tpu.memory_space<hbm>>
    %dma_wait3A_247 = arith.constant 0 : i32
    %dma_wait3A_248 = tpu.memref_slice %arg7[%dma_wait3A_243, %dma_wait3A_247] : memref<64x16384xf32, #tpu.memory_space<hbm>> -> memref<1x2048xf32, #tpu.memory_space<hbm>>
    %dma_wait3A_249 = tpu.memref_squeeze %dma_wait3A_248 : memref<1x2048xf32, #tpu.memory_space<hbm>> -> memref<2048xf32, #tpu.memory_space<hbm>>
    tpu.wait_dma2 semaphore(%arg21 : memref<!tpu.dma_semaphore, #tpu.memory_space<semaphore_mem>>) src(%dma_wait3A_249 : memref<2048xf32, #tpu.memory_space<hbm>>) dst(%arg16 : memref<2048xf32, #tpu.memory_space<vmem>>)
    %dma_wait3A_250 = arith.constant 0 : i32
    %dma_wait3A_251 = arith.constant 0 : i32
    %dma_wait3A_252 = tpu.memref_slice %arg7[%dma_wait3A_250, %dma_wait3A_251] : memref<64x16384xf32, #tpu.memory_space<hbm>> -> memref<1x2048xf32, #tpu.memory_space<hbm>>
    %dma_wait3A_253 = tpu.memref_squeeze %dma_wait3A_252 : memref<1x2048xf32, #tpu.memory_space<hbm>> -> memref<2048xf32, #tpu.memory_space<hbm>>
    %dma_wait3A_254 = arith.constant 0 : i32
    %dma_wait3A_255 = tpu.memref_slice %arg7[%dma_wait3A_250, %dma_wait3A_254] : memref<64x16384xf32, #tpu.memory_space<hbm>> -> memref<1x2048xf32, #tpu.memory_space<hbm>>
    %dma_wait3A_256 = tpu.memref_squeeze %dma_wait3A_255 : memref<1x2048xf32, #tpu.memory_space<hbm>> -> memref<2048xf32, #tpu.memory_space<hbm>>
    tpu.wait_dma2 semaphore(%arg21 : memref<!tpu.dma_semaphore, #tpu.memory_space<semaphore_mem>>) src(%dma_wait3A_256 : memref<2048xf32, #tpu.memory_space<hbm>>) dst(%arg17 : memref<2048xf32, #tpu.memory_space<vmem>>)
    return
  }
}

</mosaic_0001>

<sc_bundles>
// kernel: kernel.3.cloned.1.call-start
scs
__scs_entry_jumppad:
0x0: {  	(pc) =	sbr.rel $0x88, $3  }
0x1: {  	(tag) =	ssettag $0x0;
	lr =	simm.s32 $0x1  }
0x2: {  	[smem:$0x3F9C] =	sst lr;
	_ =	strace $0xD0000000  }
0x3: {  	_ = 	snop  }
0x4: {  	_ = 	snop  }
0x5: {  	_ = 	snop  }
0x6: {  	_ = 	snop  }
0x7: {  	_ = 	snop  }
__scs_overlays_trampoline_lowered:
0x8: {  	[smem:$0x3FAB] =	sst s0  }
0x9: {  	[smem:$0x3FAC] =	sst s1  }
0xa: {  	[smem:$0x3FAD] =	sst s2  }
0xb: {  	[smem:$0x3FAE] =	sst s3  }
0xc: {  	[smem:$0x3FAF] =	sst s4  }
0xd: {  	[smem:$0x3FB0] =	sst s5  }
0xe: {  	[smem:$0x3FB1] =	sst s6  }
0xf: {  	[smem:$0x3FB2] =	sst s7  }
0x10: {  	[smem:$0x3FB3] =	sst s8  }
0x11: {  	[smem:$0x3FB4] =	sst s9;
	s0 =	simm.s32 @!p0 $0x0  }
0x12: {  	s1 =	sld [smem:$0x3F9A];
	s0 =	simm.s32 @p0 $0x1  }
0x13: {  	[smem:$0x3FB5] =	sst s0;
	s0 =	simm.s32 @!p1 $0x0  }
0x14: {  	s2 =	sld [smem:$0x3F99];
	s0 =	simm.s32 @p1 $0x1  }
0x15: {  	[smem:$0x3FB6] =	sst s0;
	s0 =	simm.s32 @!p2 $0x0  }
0x16: {  	s3 =	sld [smem:$0x3FDB];
	s0 =	simm.s32 @p2 $0x1  }
0x17: {  	s4 =	simm.s32 $0x1BF5;
	[smem:$0x3FB8] =	sst s0  }
0x18: {  	s0 =	sld [smem:$0x3F9B];
	_ =	swait.ge [sflag:s4], $0x0  }
0x19: {  	s7 =	sld [smem:$0x3F9C]  }
0x1a: {  	s8 =	sadd.s32 $0xFFFFE003, lr  }
0x1b: {  	s9 =	sadd.s32 $0xFFFFFEF7, lr;
	s5 =	simm.s32 $0xFFFFFFFF;
	p2 =	slt.u32 s8, $0xFFFFF086  }
0x1c: {  	p1 =	slt.u32 s9, $0xF7A;
	s5 =	simm.s32 @!p2 $0x0  }
0x1d: {  	s5 =	simm.s32 @p1 $0x1;
	p0 =	seq.s32 s7, s2  }
0x1e: {  	s7 =	smul.u32 @!p0 $0xF7A, s2;
	p2 =	seq.s32 @!p0 s5, $0x0  }
0x1f: {  	s9 =	smul.u32 $0xF7A, s1;
	s8 =	simm.s32 @!p0 $0x1BF5;
	p2 =	por !p2, p0  }
0x20: {  	[sflag:s8] =	ssyncset.s32 @!p0 $0xFFFFF086;
	s6 =	sadd.s32 @!p0 s3, s7;
	s7 =	simm.s32 @!p0 $0x108  }
0x21: {  	s3 =	sadd.s32 s3, s9;
	s6 =	sadd.s32 @!p0 $0x88, s6;
	s7 =	simm.s32 @p2 $0x1082  }
0x22: {  	[simem:s7], [sflag:s8] =	dma.local @!p0 [hbm:s6], $0xF7A  }
0x23: {  	s9 =	sor.u32 $0xD0000000, s2;
	s6 =	simm.s32 $0x108;
	_ =	swait.ge @!p0 [sflag:s8], $0x0  }
0x24: {  	s3 =	sadd.s32 $0x88, s3;
	s6 =	simm.s32 @!p1 $0x1082;
	[sflag:s4] =	ssyncset.s32 $0xFFFFF086  }
0x25: {  	[simem:s6], [sflag:s4] =	dma.local [hbm:s3], $0xF7A  }
0x26: {  	[smem:$0x3F9C] =	sst s1;
	(tag) =	ssettag s2;
	_ =	strace s9  }
0x27: {  	s1 =	sld [smem:$0x3FAC]  }
0x28: {  	s2 =	sld [smem:$0x3FAD]  }
0x29: {  	s4 =	sld [smem:$0x3FAF]  }
0x2a: {  	p0 =	seq.s32 s5, $0x0;
	s5 =	sld [smem:$0x3FB0]  }
0x2b: {  	s6 =	sld [smem:$0x3FB1]  }
0x2c: {  	s7 =	sld [smem:$0x3FB2]  }
0x2d: {  	s3 =	simm.s32 $0x108;
	s8 =	sld [smem:$0x3FB3]  }
0x2e: {  	s3 =	simm.s32 @!p0 $0x1082;
	s9 =	sld [smem:$0x3FB4]  }
0x2f: {  	lr =	sadd.s32 s0, s3;
	s0 =	sld [smem:$0x3FAB]  }
0x30: {  	s3 =	sld [smem:$0x3FAE]  }
0x31: {  	[smem:$0x3FB7] =	sst s10  }
0x32: {  	s10 =	sld [smem:$0x3FB5];
	_ =	sdelay $0x3  }
0x33: {  	p0 =	seq.s32 s10, $0x1;
	s10 =	sld [smem:$0x3FB7];
	_ =	sdelay $0x3  }
0x34: {  	[smem:$0x3FB7] =	sst s10  }
0x35: {  	s10 =	sld [smem:$0x3FB6];
	_ =	sdelay $0x3  }
0x36: {  	p1 =	seq.s32 s10, $0x1;
	s10 =	sld [smem:$0x3FB7];
	_ =	sdelay $0x3  }
0x37: {  	[smem:$0x3FB7] =	sst s10  }
0x38: {  	s10 =	sld [smem:$0x3FB8]  }
0x39: {  	_ = 	snop;
	(pc) =	sbr.ind lr, $3  }
0x3a: {  	_ = 	snop  }
0x3b: {  	_ = 	snop  }
0x3c: {  	p2 =	seq.s32 s10, $0x1;
	s10 =	sld [smem:$0x3FB7]  }
0x3d: {  	_ =	shalt  }
0x3e: {  	_ =	shalt  }
0x3f: {  	_ =	shalt  }
0x40: {  	_ =	shalt  }
0x41: {  	_ =	shalt  }
0x42: {  	_ =	shalt  }
0x43: {  	_ =	shalt  }
0x44: {  	_ =	shalt  }
0x45: {  	_ =	shalt  }
0x46: {  	_ =	shalt  }
0x47: {  	_ =	shalt  }
0x48: {  	_ =	shalt  }
0x49: {  	_ =	shalt  }
0x4a: {  	_ =	shalt  }
0x4b: {  	_ =	shalt  }
0x4c: {  	_ =	shalt  }
0x4d: {  	_ =	shalt  }
0x4e: {  	_ =	shalt  }
0x4f: {  	_ =	shalt  }
0x50: {  	_ =	shalt  }
0x51: {  	_ =	shalt  }
0x52: {  	_ =	shalt  }
0x53: {  	_ =	shalt  }
0x54: {  	_ =	shalt  }
0x55: {  	_ =	shalt  }
0x56: {  	_ =	shalt  }
0x57: {  	_ =	shalt  }
0x58: {  	_ =	shalt  }
0x59: {  	_ =	shalt  }
0x5a: {  	_ =	shalt  }
0x5b: {  	_ =	shalt  }
0x5c: {  	_ =	shalt  }
0x5d: {  	_ =	shalt  }
0x5e: {  	_ =	shalt  }
0x5f: {  	_ =	shalt  }
0x60: {  	_ =	shalt  }
0x61: {  	_ =	shalt  }
0x62: {  	_ =	shalt  }
0x63: {  	_ =	shalt  }
0x64: {  	_ =	shalt  }
0x65: {  	_ =	shalt  }
0x66: {  	_ =	shalt  }
0x67: {  	_ =	shalt  }
0x68: {  	_ =	shalt  }
0x69: {  	_ =	shalt  }
0x6a: {  	_ =	shalt  }
0x6b: {  	_ =	shalt  }
0x6c: {  	_ =	shalt  }
0x6d: {  	_ =	shalt  }
0x6e: {  	_ =	shalt  }
0x6f: {  	_ =	shalt  }
0x70: {  	_ =	shalt  }
0x71: {  	_ =	shalt  }
0x72: {  	_ =	shalt  }
0x73: {  	_ =	shalt  }
0x74: {  	_ =	shalt  }
0x75: {  	_ =	shalt  }
0x76: {  	_ =	shalt  }
0x77: {  	_ =	shalt  }
0x78: {  	_ =	shalt  }
0x79: {  	_ =	shalt  }
0x7a: {  	_ =	shalt  }
0x7b: {  	_ =	shalt  }
0x7c: {  	_ =	shalt  }
0x7d: {  	_ =	shalt  }
0x7e: {  	_ =	shalt  }
0x7f: {  	_ =	shalt  }
0x80: {  	_ =	shalt  }
0x81: {  	_ =	shalt  }
0x82: {  	_ =	shalt  }
0x83: {  	_ =	shalt  }
0x84: {  	_ =	shalt  }
0x85: {  	_ =	shalt  }
0x86: {  	_ =	shalt  }
0x87: {  	_ =	shalt  }
.Lfunc_end0:
.L_simem_size_0:
called_computation_lowered:
.L_overlay_start_0:
0x88: {  	s2 =	sld [smem:$0x3FD9]  }
0x89: {  	s3 =	sld [smem:$0x3FFE];
	_ =	sdelay $0x1  }
0x8a: {  	s1 =	srdreg.scid  }
0x8b: {  	s0 =	sand.u32 $0x1, s1  }
0x8c: {  	s18 =	sshll.u32 s0, $0xA;
	s2 =	sadd.s32 s3, s2  }
0x8d: {  	s2 =	sadd.s32 s2, s18  }
0x8e: {  	[smem:$0x3FC3] =	sst s2  }
0x8f: {  	_ = 	snop  }
0x90: {  	s2 =	sld [smem:$0x3FC9]  }
0x91: {  	s19 =	sld [smem:$0x3FC8]  }
0x92: {  	s4 =	sld [smem:$0x3FC7]  }
0x93: {  	s5 =	sld [smem:$0x3FC6]  }
0x94: {  	s6 =	sld [smem:$0x3FC5]  }
0x95: {  	s7 =	sld [smem:$0x3FD0];
	(tm) =	ssettm $0x1  }
0x96: {  	s8 =	sld [smem:$0x3FFB];
	_ =	sdelay $0x3  }
0x97: {  	_ =	strace s8  }
0x98: {  	s8 =	sld [smem:$0x3FFC];
	_ =	sdelay $0x3  }
0x99: {  	_ =	strace s8  }
0x9a: {  	s8 =	sld [smem:$0x3FFD];
	_ =	sdelay $0x3  }
0x9b: {  	_ =	strace s8  }
0x9c: {  	_ =	strace $0x8FFFFFFF  }
0x9d: {  	s20 =	sld [smem:$0x3FDB];
	_ =	sdelay $0x1  }
0x9e: {  	s9 =	simm.s32 $_scs_section_size  }
0x9f: {  	s10 =	simm.s32 $_size__tile_overlayer_lowered;
	s11 =	simm.s32 $_tile_overlayer_lowered  }
0xa0: {  	s23 =	simm.s32 $0x1BFF;
	s22 =	sshll.u32 s11, $0x1;
	s8 =	sadd.s32 s9, s20  }
0xa1: {  	s12 =	simm.s32 $0x0;
	s21 =	sshll.u32 s10, $0x1;
	s10 =	sadd.s32 s22, s8  }
0xa2: {  	[timem:s12], [sflag:s23] =	dma.local [hbm:s10], s21  }
0xa3: {  	_ =	swait.ge [sflag:s23], s21  }
0xa4: {  	s9 =	ssub.s32 $0x0, s21;
	[sflag:s23] =	ssyncset.done $0x0  }
0xa5: {  	[sflag:s23] =	ssyncadd.s32 s9;
	_ =	sdelay $0x1  }
0xa6: {  	s24 =	simm.s32 $0x1B8B  }
0xa7: {  	_ =	swait.ge [sflag:s24], $0x1  }
0xa8: {  	[sflag:s24] =	ssyncset.done $0x0  }
0xa9: {  	s25 =	simm.s32 $0x1B8E;
	[sflag:s24] =	ssyncadd.s32 $0xFFFFFFFF  }
0xaa: {  	s26 =	simm.s32 $execute0_lowered;
	[smem:$0x3FD2] =	sst s25  }
0xab: {  	s9 =	sshll.u32 s26, $0x1;
	_ =	strace $0x80000046;
	[dreg:$0x1] =	wrdreg $0xFFFFFFFF  }
0xac: {  	s28 =	simm.s32 $_size_execute0_lowered;
	s8 =	sadd.s32 s8, s9;
	[dreg:$0x0] =	wrdreg $0x0  }
0xad: {  	s9 =	sshll.u32 s28, $0x1;
	[dreg:$0x2] =	wrdreg s8  }
0xae: {  	[dreg:$0x3] =	wrdreg s9  }
0xaf: {  	[dreg:$0x4] =	wrdreg $0xC0  }
0xb0: {  	_ =	task [dreg:s12], $0x5FFFF  }
0xb1: {  	[dreg:$0x1] =	wrdreg $0xFFFFFFFF  }
0xb2: {  	[dreg:$0x0] =	wrdreg $0x60  }
0xb3: {  	[dreg:$0x2] =	wrdreg s2  }
0xb4: {  	[dreg:$0x3] =	wrdreg s19  }
0xb5: {  	[dreg:$0x4] =	wrdreg s4  }
0xb6: {  	[dreg:$0x5] =	wrdreg s5  }
0xb7: {  	[dreg:$0x6] =	wrdreg s6  }
0xb8: {  	[dreg:$0x7] =	wrdreg s7  }
0xb9: {  	[dreg:$0x8] =	wrdreg $0x1F3000  }
0xba: {  	[dreg:$0x9] =	wrdreg $0x9  }
0xbb: {  	_ =	task.clear_ibuf [dreg:s12], $0xAFFFF;
	_ =	strace $0x90000046  }
0xbc: {  	s29 =	simm.s32 $0x9;
	_ =	strace $0x80000048  }
0xbd: {  	_ =	swait.ge [sflag:s29], $0x1  }
0xbe: {  	[sflag:s29] =	ssyncadd.s32 $0xFFFFFFFF  }
0xbf: {  	_ =	strace $0x90000048  }
0xc0: {  	_ =	sfence  }
0xc1: {  	s30 =	sld [smem:$0x0];
	_ =	sdelay $0x2  }
0xc2: {  	s31 =	sshll.u32 s1, $0xD;
	s1 =	sshrl.u32 s1, $0x2  }
0xc3: {  	s3 =	sand.u32 $0x4000, s31;
	s1 =	sadd.s32 s1, s30  }
0xc4: {  	s0 =	sor.u32 s3, s0;
	s1 =	sshll.u32 s1, $0x11  }
0xc5: {  	s0 =	sor.u32 s1, s0  }
0xc6: {  	s0 =	sadd.s32 $0x8F2B, s0  }
0xc7: {  	[sflag:s0] =	ssyncadd.remote.s32 $0x1  }
0xc8: {  	_ =	sfence.sel $0xFFFF  }
0xc9: {  	[dreg:$0x0] =	wrdreg $0xFFFFFFFF;
	(pc) =	sbr.abs _section_cstart, $3  }
0xca: {  	[dreg:$0x1] =	wrdreg $0xFFFFFFFF  }
0xcb: {  	_ =	task.clear_ibuf [dreg:s12], $0x2FFFF;
	_ =	strace $0x9FFFFFFF  }
0xcc: {  	(tm) =	ssettm $0x7FFFFFFF  }
0xcd: {  	_ =	shalt  }
tec
execute0_lowered:
.L_overlay_start_1:
0x0: {  	(tag) =	ssettag $0x1  }
0x1: {  	s13 =	rddreg [dreg:$0x0]  }
0x2: {  	s0 =	rddreg [dreg:$0x1]  }
0x3: {  	s1 =	rddreg [dreg:$0x2]  }
0x4: {  	s2 =	rddreg [dreg:$0x3]  }
0x5: {  	s4 =	srdreg.scid;
	s3 =	rddreg [dreg:$0x4]  }
0x6: {  	s14 =	stileid.u32;
	s5 =	rddreg [dreg:$0x5]  }
0x7: {  	s6 =	rddreg [dreg:$0x6];
	s18 =	simm.s32 $0x4000;
	s19 =	simm.s32 $0x4  }
0x8: {  	s20 =	simm.s32 $0x80;
	s31 =	simm.s32 $0x1;
	s29 =	simm.s32 $0x1DB00  }
0x9: {  	s4 =	sand.u32 $0x1, s4;
	s8 =	sshll.u32 s14, $0x1;
	s9 =	sshll.u32 s14, $0x8  }
0xa: {  	s21 =	sshll.u32 s14, $0x7;
	s23 =	sshll.u32 s14, $0xA;
	s7 =	sshll.u32 s4, $0x5  }
0xb: {  	s4 =	ssub.s32 $0x2, s4;
	s9 =	sand.u32 $0x300, s9;
	s13 =	sadd.s32 s13, s21  }
0xc: {  	s0 =	sadd.s32 s0, s21;
	s21 =	simm.s32 $0x1E300;
	s7 =	sor.u32 s8, s7  }
0xd: {  	s11 =	sshrl.u32 s4, $0x1;
	s22 =	sor.u32 $0x80, s9;
	s8 =	sshrl.u32 s7, $0x3  }
0xe: {  	s7 =	simm.s32 $0x0;
	s4 =	ssub.s32 s4, s11;
	s10 =	smul.u32 $0xC3800, s8  }
0xf: {  	[smem:$0x7FF] =	sst s7;
	s24 =	sshll.u32 s8, $0x11;
	s26 =	smax.u32 s4, $0x1  }
0x10: {  	s4 =	simm.s32 $0x4380;
	_ =	strace $0x80000047;
	[dreg:$0x8] =	wrdreg s13  }
0x11: {  	s8 =	simm.s32 $0x3;
	[dreg:$0xa] =	wrdreg s0;
	s0 =	sadd.s32 s23, s6  }
0x12: {  	s14 =	sor.u32 s22, s24;
	[dreg:$0xd] =	wrdreg s26;
	s23 =	simm.s32 $0x1EB00  }
0x13: {  	s26 =	simm.s32 $0x0;
	s12 =	sor.u32 s9, s10;
	s10 =	sor.u32 s22, s10  }
0x14: {  	[dreg:$0xb] =	wrdreg s0;
	s30 =	sshrl.u32 s14, $0x3;
	s12 =	sshrl.u32 s12, $0x3  }
0x15: {  	s22 =	simm.s32 $0x2;
	s25 =	sshrl.u32 s10, $0x3;
	s12 =	sadd.s32 s1, s12  }
0x16: {  	s17 =	sadd.s32 s5, s30;
	[dreg:$0x9] =	wrdreg s12;
	s12 =	sor.u32 s9, s24  }
0x17: {  	s1 =	sadd.s32 s1, s25;
	s25 =	simm.s32 $0x5400;
	s28 =	sshrl.u32 s12, $0x3  }
0x18: {  	[dreg:$0xc] =	wrdreg s1;
	s24 =	simm.s32 $0x400;
	s16 =	sadd.s32 s5, s28  }
.LBB2_1:
0x19: {  	s0 =	rddreg [dreg:$0x8]  }
0x1a: {  	[tilespmem:s18], [sflag:$0x4] =	stream.linear.gather [hbm4b:s0+s7], $0x400, $0x38;
	[tilespmem:$0x1F700] =	vst v63  }
0x1b: {  	_ =	swait.ge [sflag:s19], $0x400  }
0x1c: {  	[sflag:s19] =	ssyncset.done $0x0  }
0x1d: {  	s11 =	simm.s32 $0x4800;
	[sflag:s19] =	ssyncadd.s32 $0xFFFFFC00  }
0x1e: {  	[tilespmem:s11], [sflag:$0x1] =	stream.indirect.gather [hbm4b:s2+s20], $0x1, s18, s20, $0xb8;
	[tilespmem:$0x1F700] =	vst v63  }
0x1f: {  	s13 =	simm.s32 $0x4C00  }
0x20: {  	[tilespmem:s13], [sflag:$0x1] =	stream.indirect.gather [hbm4b:s3+s20], $0x1, s18, s20, $0xb8;
	[tilespmem:$0x1F700] =	vst v63  }
0x21: {  	s15 =	simm.s32 $0x4080;
	s1 =	simm.s32 $0x4880  }
0x22: {  	[tilespmem:s1], [sflag:$0x1] =	stream.indirect.gather [hbm4b:s2+s20], $0x1, s15, s20, $0xb8;
	[tilespmem:$0x1F700] =	vst v63  }
0x23: {  	s28 =	simm.s32 $0x4C80  }
0x24: {  	[tilespmem:s28], [sflag:$0x1] =	stream.indirect.gather [hbm4b:s3+s20], $0x1, s15, s20, $0xb8;
	[tilespmem:$0x1F700] =	vst v63  }
0x25: {  	s9 =	simm.s32 $0x4100;
	s10 =	simm.s32 $0x4900  }
0x26: {  	[tilespmem:s10], [sflag:$0x1] =	stream.indirect.gather [hbm4b:s2+s20], $0x1, s9, s20, $0xb8;
	[tilespmem:$0x1F700] =	vst v63  }
0x27: {  	s11 =	simm.s32 $0x4D00  }
0x28: {  	[tilespmem:s11], [sflag:$0x1] =	stream.indirect.gather [hbm4b:s3+s20], $0x1, s9, s20, $0xb8;
	[tilespmem:$0x1F700] =	vst v63  }
0x29: {  	s13 =	simm.s32 $0x4180;
	s15 =	simm.s32 $0x4980  }
0x2a: {  	[tilespmem:s15], [sflag:$0x1] =	stream.indirect.gather [hbm4b:s2+s20], $0x1, s13, s20, $0xb8;
	[tilespmem:$0x1F700] =	vst v63  }
0x2b: {  	s28 =	simm.s32 $0x4D80  }
0x2c: {  	[tilespmem:s28], [sflag:$0x1] =	stream.indirect.gather [hbm4b:s3+s20], $0x1, s13, s20, $0xb8;
	[tilespmem:$0x1F700] =	vst v63  }
0x2d: {  	s10 =	simm.s32 $0x4A00;
	s9 =	simm.s32 $0x4200  }
0x2e: {  	[tilespmem:s10], [sflag:$0x1] =	stream.indirect.gather [hbm4b:s2+s20], $0x1, s9, s20, $0xb8;
	[tilespmem:$0x1F700] =	vst v63  }
0x2f: {  	s11 =	simm.s32 $0x4E00  }
0x30: {  	[tilespmem:s11], [sflag:$0x1] =	stream.indirect.gather [hbm4b:s3+s20], $0x1, s9, s20, $0xb8;
	[tilespmem:$0x1F700] =	vst v63  }
0x31: {  	s15 =	simm.s32 $0x4A80;
	s13 =	simm.s32 $0x4280  }
0x32: {  	[tilespmem:s15], [sflag:$0x1] =	stream.indirect.gather [hbm4b:s2+s20], $0x1, s13, s20, $0xb8;
	[tilespmem:$0x1F700] =	vst v63  }
0x33: {  	s28 =	simm.s32 $0x4E80  }
0x34: {  	[tilespmem:s28], [sflag:$0x1] =	stream.indirect.gather [hbm4b:s3+s20], $0x1, s13, s20, $0xb8;
	[tilespmem:$0x1F700] =	vst v63  }
0x35: {  	s10 =	simm.s32 $0x4B00;
	s9 =	simm.s32 $0x4300  }
0x36: {  	[tilespmem:s10], [sflag:$0x1] =	stream.indirect.gather [hbm4b:s2+s20], $0x1, s9, s20, $0xb8;
	[tilespmem:$0x1F700] =	vst v63  }
0x37: {  	s11 =	simm.s32 $0x4F00  }
0x38: {  	[tilespmem:s11], [sflag:$0x1] =	stream.indirect.gather [hbm4b:s3+s20], $0x1, s9, s20, $0xb8;
	[tilespmem:$0x1F700] =	vst v63  }
0x39: {  	s13 =	simm.s32 $0x4B80  }
0x3a: {  	[tilespmem:s13], [sflag:$0x1] =	stream.indirect.gather [hbm4b:s2+s20], $0x1, s4, s20, $0xb8;
	[tilespmem:$0x1F700] =	vst v63  }
0x3b: {  	s15 =	simm.s32 $0x4F80  }
0x3c: {  	[tilespmem:s15], [sflag:$0x1] =	stream.indirect.gather [hbm4b:s3+s20], $0x1, s4, s20, $0xb8;
	[tilespmem:$0x1F700] =	vst v63  }
0x3d: {  	s28 =	rddreg [dreg:$0x9]  }
0x3e: {  	[tilespmem:s25], [sflag:$0x2] =	stream.strided.gather [hbm4b:s28+s20], $0x18700, s24, s20, $0x38;
	[tilespmem:$0x1F700] =	vst v63  }
0x3f: {  	s1 =	rddreg [dreg:$0x0]  }
0x40: {  	[tilespmem:s7], [sflag:$0x2] =	stream.linear.gather [hbm4b:s1+s7], $0x4000, $0x38;
	[tilespmem:$0x1F700] =	vst v63  }
0x41: {  	s10 =	simm.s32 $0x4400;
	s9 =	rddreg [dreg:$0xa]  }
0x42: {  	[tilespmem:s10], [sflag:$0x4] =	stream.linear.gather [hbm4b:s9+s7], $0x400, $0x38;
	[tilespmem:$0x1F700] =	vst v63  }
0x43: {  	_ =	swait.ge [sflag:s19], $0x400  }
0x44: {  	[sflag:s19] =	ssyncset.done $0x0  }
0x45: {  	[sflag:s19] =	ssyncadd.s32 $0xFFFFFC00  }
0x46: {  	_ =	swait.ge [sflag:s31], $0x80  }
0x47: {  	[sflag:s31] =	ssyncset.done $0x0  }
0x48: {  	[sflag:s31] =	ssyncadd.s32 $0xFFFFFF80  }
0x49: {  	_ =	swait.ge [sflag:s31], $0x80  }
0x4a: {  	[sflag:s31] =	ssyncset.done $0x0  }
0x4b: {  	[sflag:s31] =	ssyncadd.s32 $0xFFFFFF80  }
0x4c: {  	_ =	swait.ge [sflag:s31], $0x80  }
0x4d: {  	[sflag:s31] =	ssyncset.done $0x0  }
0x4e: {  	[sflag:s31] =	ssyncadd.s32 $0xFFFFFF80  }
0x4f: {  	_ =	swait.ge [sflag:s31], $0x80  }
0x50: {  	[sflag:s31] =	ssyncset.done $0x0  }
0x51: {  	[sflag:s31] =	ssyncadd.s32 $0xFFFFFF80  }
0x52: {  	_ =	swait.ge [sflag:s31], $0x80  }
0x53: {  	[sflag:s31] =	ssyncset.done $0x0  }
0x54: {  	[sflag:s31] =	ssyncadd.s32 $0xFFFFFF80  }
0x55: {  	_ =	swait.ge [sflag:s31], $0x80  }
0x56: {  	[sflag:s31] =	ssyncset.done $0x0  }
0x57: {  	[sflag:s31] =	ssyncadd.s32 $0xFFFFFF80  }
0x58: {  	_ =	swait.ge [sflag:s31], $0x80  }
0x59: {  	[sflag:s31] =	ssyncset.done $0x0  }
0x5a: {  	[sflag:s31] =	ssyncadd.s32 $0xFFFFFF80  }
0x5b: {  	_ =	swait.ge [sflag:s31], $0x80  }
0x5c: {  	[sflag:s31] =	ssyncset.done $0x0  }
0x5d: {  	[sflag:s31] =	ssyncadd.s32 $0xFFFFFF80  }
0x5e: {  	_ =	swait.ge [sflag:s31], $0x80  }
0x5f: {  	[sflag:s31] =	ssyncset.done $0x0  }
0x60: {  	[sflag:s31] =	ssyncadd.s32 $0xFFFFFF80  }
0x61: {  	_ =	swait.ge [sflag:s31], $0x80  }
0x62: {  	[sflag:s31] =	ssyncset.done $0x0  }
0x63: {  	[sflag:s31] =	ssyncadd.s32 $0xFFFFFF80  }
0x64: {  	_ =	swait.ge [sflag:s31], $0x80  }
0x65: {  	[sflag:s31] =	ssyncset.done $0x0  }
0x66: {  	[sflag:s31] =	ssyncadd.s32 $0xFFFFFF80  }
0x67: {  	_ =	swait.ge [sflag:s31], $0x80  }
0x68: {  	[sflag:s31] =	ssyncset.done $0x0  }
0x69: {  	[sflag:s31] =	ssyncadd.s32 $0xFFFFFF80  }
0x6a: {  	_ =	swait.ge [sflag:s31], $0x80  }
0x6b: {  	[sflag:s31] =	ssyncset.done $0x0  }
0x6c: {  	[sflag:s31] =	ssyncadd.s32 $0xFFFFFF80  }
0x6d: {  	_ =	swait.ge [sflag:s31], $0x80  }
0x6e: {  	[sflag:s31] =	ssyncset.done $0x0  }
0x6f: {  	[sflag:s31] =	ssyncadd.s32 $0xFFFFFF80  }
0x70: {  	_ =	swait.ge [sflag:s31], $0x80  }
0x71: {  	[sflag:s31] =	ssyncset.done $0x0  }
0x72: {  	[sflag:s31] =	ssyncadd.s32 $0xFFFFFF80  }
0x73: {  	_ =	swait.ge [sflag:s31], $0x80  }
0x74: {  	[sflag:s31] =	ssyncset.done $0x0  }
0x75: {  	s11 =	simm.s32 $0x4420;
	[sflag:s31] =	ssyncadd.s32 $0xFFFFFF80  }
0x76: {  	v0 =	vld [tilespmem:s11+$0xFFFFFFF0];
	_ =	sdelay $0x1  }
0x77: {  	v1 =	vld [tilespmem:s11+$0xFFFFFFE0]  }
0x78: {  	v2 =	vld [tilespmem:s11+$0x10];
	_ =	sdelay $0x1  }
0x79: {  	v3 =	vadd.f32 $2.000000000e+00, v0;
	_ =	sdelay $0x1  }
0x7a: {  	v4 =	vadd.f32 $2.000000000e+00, v1;
	(erf) = vrcp.f32 v3  }
0x7b: {  	v3 =	vadd.f32 $2.000000000e+00, v2  }
0x7c: {  	(erf) = vrcp.f32 v4  }
0x7d: {  	(erf) = vrcp.f32 v3;
	_ =	sdelay $0x2  }
0x7e: {  	v3 =	vld [tilespmem:s11+$0x0];
	_ =	sdelay $0x2  }
0x7f: {  	v4 =	vpop (erf)  }
0x80: {  	v0 =	vmul.f32 v4, v0  }
0x81: {  	s13 =	simm.s32 $0x4C20;
	v5 =	vadd.f32 $2.000000000e+00, v3;
	v4 =	vpop (erf)  }
0x82: {  	v8 =	vld [tilespmem:s13+$0xFFFFFFF0];
	v7 =	vpop (erf);
	v6 =	vmul.f32 v0, v0  }
0x83: {  	v11 =	vld [tilespmem:s13+$0x10];
	(erf) = vrcp.f32 v5;
	v2 =	vmul.f32 v7, v2  }
0x84: {  	v9 =	vld [tilespmem:s13+$0xFFFFFFE0];
	v5 =	vmul.f32 $1.111111120e-01, v6  }
0x85: {  	v7 =	vmul.f32 v2, v2  }
0x86: {  	v5 =	vadd.f32 $1.428571490e-01, v5  }
0x87: {  	v12 =	vsub.f32 $0.0e+00, v8;
	v10 =	vmul.f32 $1.111111120e-01, v7  }
0x88: {  	v15 =	vsub.f32 $0.0e+00, v11;
	v1 =	vmul.f32 v4, v1;
	v5 =	vmul.f32 v5, v6  }
0x89: {  	v14 =	vsub.f32 $0.0e+00, v9;
	v13 =	vadd.f32 $1.428571490e-01, v10  }
0x8a: {  	v12 =	vmul.f32 $1.442695020e+00, v12;
	v16 =	vmul.f32 v1, v1;
	v5 =	vadd.f32 $2.000000030e-01, v5  }
0x8b: {  	v10 =	vld [tilespmem:s13+$0x0];
	v4 =	vmul.f32 v13, v7;
	v13 =	vmul.f32 $1.442695020e+00, v14  }
0x8c: {  	v14 =	vmul.f32 $1.442695020e+00, v15;
	v15 =	vpop (erf);
	v5 =	vmul.f32 v5, v6  }
0x8d: {  	v0 =	vadd.f32 v0, v0;
	v15 =	vmul.f32 v15, v3;
	v4 =	vadd.f32 $2.000000030e-01, v4  }
0x8e: {  	s15 =	simm.s32 $0x4460;
	(erf) = vpow2.f32 v13;
	v13 =	vmul.f32 $1.111111120e-01, v16;
	v3 =	vadd.f32 $3.333333430e-01, v5  }
0x8f: {  	v17 =	vld [tilespmem:s15+$0xFFFFFFF0];
	v21 =	vadd.f32 v1, v1;
	v18 =	vmul.f32 v15, v15;
	v4 =	vmul.f32 v4, v7  }
0x90: {  	s28 =	simm.s32 $0x4820;
	(erf) = vpow2.f32 v12;
	v12 =	vld [tilespmem:s15+$0xFFFFFFE0];
	v5 =	vsub.f32 $0.0e+00, v10;
	v3 =	vmul.f32 v3, v6  }
0x91: {  	v13 =	vadd.f32 $1.428571490e-01, v13;
	v6 =	vld [tilespmem:s28+$0xFFFFFFF0];
	v4 =	vadd.f32 $3.333333430e-01, v4  }
0x92: {  	v20 =	vld [tilespmem:s15+$0x10];
	v19 =	vmul.f32 $1.111111120e-01, v18;
	v5 =	vmul.f32 $1.442695020e+00, v5;
	v3 =	vadd.f32 $1.000000000e+00, v3  }
0x93: {  	v1 =	vmul.f32 v13, v16;
	v13 =	vadd.f32 v2, v2;
	v4 =	vmul.f32 v4, v7;
	v7 =	vld [tilespmem:s28+$0x10]  }
0x94: {  	(erf) = vpow2.f32 v5;
	v5 =	vld [tilespmem:s15+$0x0];
	v0 =	vmul.f32 v3, v0;
	v3 =	vadd.f32 $2.000000000e+00, v17  }
0x95: {  	s10 =	simm.s32 $0x4C60;
	v1 =	vadd.f32 $2.000000030e-01, v1;
	(erf) = vpow2.f32 v14;
	v4 =	vadd.f32 $1.000000000e+00, v4  }
0x96: {  	v14 =	vadd.f32 $2.000000000e+00, v12;
	(erf) = vrcp.f32 v3;
	v3 =	vmul.f32 v0, v6;
	v0 =	vld [tilespmem:s10+$0xFFFFFFE0]  }
0x97: {  	v2 =	vld [tilespmem:s10+$0xFFFFFFF0];
	v4 =	vmul.f32 v4, v13;
	v6 =	vadd.f32 $2.000000000e+00, v20;
	v13 =	vadd.f32 $1.428571490e-01, v19  }
0x98: {  	v1 =	vmul.f32 v1, v16;
	(erf) = vrcp.f32 v14  }
0x99: {  	v4 =	vmul.f32 v4, v7;
	(erf) = vrcp.f32 v6;
	v6 =	vadd.f32 $2.000000000e+00, v5  }
0x9a: {  	v1 =	vadd.f32 $3.333333430e-01, v1;
	v8 =	vadd.f32 v3, v8;
	v3 =	vld [tilespmem:s10+$0x10];
	v7 =	vmul.f32 v13, v18  }
0x9b: {  	v13 =	vpop (erf);
	v4 =	vadd.f32 v4, v11;
	(erf) = vrcp.f32 v6;
	v6 =	vsub.f32 $0.0e+00, v0  }
0x9c: {  	v8 =	vsub.f32 $0.0e+00, v8;
	v11 =	vmul.f32 v1, v16;
	v16 =	vsub.f32 $0.0e+00, v2;
	v14 =	vpop (erf)  }
0x9d: {  	v7 =	vadd.f32 $2.000000030e-01, v7;
	v19 =	vpop (erf);
	v4 =	vsub.f32 $0.0e+00, v4  }
0x9e: {  	v24 =	vld [tilespmem:s28+$0xFFFFFFE0];
	v8 =	vmul.f32 $1.442695020e+00, v8;
	v22 =	vmul.f32 $1.442695020e+00, v16;
	v11 =	vadd.f32 $1.000000000e+00, v11;
	v23 =	vpop (erf)  }
0x9f: {  	v26 =	vmul.f32 v7, v18;
	v16 =	vsub.f32 $0.0e+00, v3;
	v25 =	vmul.f32 $1.442695020e+00, v6;
	v6 =	vpop (erf)  }
0xa0: {  	v15 =	vadd.f32 v15, v15;
	v1 =	vld [tilespmem:s10+$0x0];
	v4 =	vmul.f32 $1.442695020e+00, v4;
	v17 =	vmul.f32 v6, v17  }
0xa1: {  	v13 =	vadd.f32 $1.000000000e+00, v13;
	v7 =	vmul.f32 $1.442695020e+00, v16;
	v16 =	vmul.f32 v11, v21  }
0xa2: {  	v6 =	vadd.f32 $1.000000000e+00, v23;
	v21 =	vpop (erf);
	(erf) = vpow2.f32 v4;
	v27 =	vmul.f32 v17, v17  }
0xa3: {  	v11 =	vpop (erf);
	v4 =	vmul.f32 v16, v24;
	v16 =	vadd.f32 $3.333333430e-01, v26;
	(erf) = vpow2.f32 v8  }
0xa4: {  	v24 =	vadd.f32 $1.000000000e+00, v14;
	v11 =	vmul.f32 v11, v20;
	v20 =	vmul.f32 $1.111111120e-01, v27  }
0xa5: {  	v23 =	vsub.f32 $0.0e+00, v1;
	v21 =	vmul.f32 v21, v12;
	v4 =	vadd.f32 v4, v9  }
0xa6: {  	v9 =	vpop (erf);
	v18 =	vmul.f32 v16, v18;
	(erf) = vrcp.f32 v24;
	v20 =	vadd.f32 $1.428571490e-01, v20  }
0xa7: {  	v8 =	vadd.f32 $1.000000000e+00, v19;
	v19 =	vld [tilespmem:s28+$0x0];
	v14 =	vmul.f32 v11, v11;
	v12 =	vmul.f32 v9, v5  }
0xa8: {  	v9 =	vmul.f32 v21, v21;
	v18 =	vadd.f32 $1.000000000e+00, v18;
	v5 =	vmul.f32 v20, v27  }
0xa9: {  	(erf) = vpow2.f32 v25;
	v16 =	vsub.f32 $0.0e+00, v4;
	v20 =	vmul.f32 $1.111111120e-01, v14  }
0xaa: {  	v4 =	vadd.f32 v21, v21;
	v15 =	vmul.f32 v18, v15;
	v24 =	vadd.f32 $2.000000030e-01, v5  }
0xab: {  	(erf) = vrcp.f32 v13;
	v21 =	vmul.f32 $1.111111120e-01, v9;
	v18 =	vadd.f32 $1.428571490e-01, v20  }
0xac: {  	v17 =	vadd.f32 v17, v17;
	v13 =	vpop (erf);
	v15 =	vmul.f32 v15, v19;
	v20 =	vmul.f32 v24, v27  }
0xad: {  	v26 =	vadd.f32 $1.428571490e-01, v21;
	(erf) = vpow2.f32 v22;
	v19 =	vpop (erf);
	v18 =	vmul.f32 v18, v14  }
0xae: {  	v5 =	vmul.f32 v12, v12;
	v28 =	vadd.f32 $1.000000000e+00, v19;
	v20 =	vadd.f32 $3.333333430e-01, v20  }
0xaf: {  	v29 =	vadd.f32 v15, v10;
	v15 =	vmul.f32 $1.442695020e+00, v23;
	v24 =	vadd.f32 $2.000000030e-01, v18  }
0xb0: {  	s30 =	simm.s32 $0x4860;
	v19 =	vadd.f32 $1.000000000e+00, v13;
	v22 =	vmul.f32 $1.111111120e-01, v5;
	v20 =	vmul.f32 v20, v27  }
0xb1: {  	s0 =	simm.s32 $0x44A0;
	v21 =	vld [tilespmem:s30+$0xFFFFFFF0];
	v10 =	vpop (erf);
	(erf) = vrcp.f32 v28;
	v25 =	vmul.f32 v24, v14;
	v24 =	vsub.f32 $0.0e+00, v29  }
0xb2: {  	s1 =	simm.s32 $0x4;
	s9 =	simm.s32 $0x5020;
	s11 =	simm.s32 $0x5020;
	v13 =	vpop (erf);
	v18 =	vadd.f32 $1.428571490e-01, v22;
	v22 =	vmul.f32 v26, v9;
	v23 =	vadd.f32 $1.000000000e+00, v20;
	v20 =	vld [tilespmem:s30+$0x10]  }
.LBB2_2:
0xb3: {  	v26 =	vld [tilespmem:s0+$0xFFFFFFF0];
	s1 =	sadd.s32 $0x4, s1;
	v25 =	vadd.f32 $3.333333430e-01, v25;
	(erf) = vpow2.f32 v15;
	v24 =	vmul.f32 $1.442695020e+00, v24;
	s9 =	sadd.s32 $0x40, s9  }
0xb4: {  	v16 =	vmul.f32 $1.442695020e+00, v16;
	v27 =	vld [tilespmem:s0+$0x0];
	p0 =	slt.u32 s1, $0x3C;
	v22 =	vadd.f32 $2.000000030e-01, v22;
	v17 =	vmul.f32 v23, v17;
	v15 =	vpop (erf)  }
0xb5: {  	v28 =	vadd.f32 v12, v12;
	v23 =	vld [tilespmem:s0+$0xFFFFFFE0];
	v12 =	vmul.f32 v25, v14;
	(erf) = vpow2.f32 v24  }
0xb6: {  	v11 =	vadd.f32 v11, v11;
	v14 =	vld [tilespmem:s0+$0x10];
	v17 =	vmul.f32 v17, v21;
	(erf) = vpow2.f32 v16  }
0xb7: {  	v16 =	vmul.f32 v22, v9;
	v12 =	vadd.f32 $1.000000000e+00, v12;
	v21 =	vpop (erf);
	(erf) = vrcp.f32 v19  }
0xb8: {  	s10 =	sadd.s32 $0x40, s10;
	v19 =	vadd.f32 $2.000000000e+00, v26;
	v17 =	vadd.f32 v17, v2;
	(erf) = vpow2.f32 v7  }
0xb9: {  	v2 =	vld [tilespmem:s10+$0xFFFFFFF0];
	v7 =	vadd.f32 $2.000000000e+00, v27;
	v11 =	vmul.f32 v12, v11;
	(erf) = vrcp.f32 v6  }
0xba: {  	v12 =	vadd.f32 $3.333333430e-01, v16;
	v6 =	vadd.f32 $2.000000000e+00, v23;
	(erf) = vrcp.f32 v19  }
0xbb: {  	v17 =	vsub.f32 $0.0e+00, v17;
	v16 =	vld [tilespmem:s10+$0xFFFFFFE0];
	v19 =	vadd.f32 $2.000000000e+00, v14;
	v11 =	vmul.f32 v11, v20;
	v20 =	vpop (erf)  }
0xbc: {  	v22 =	vld [tilespmem:s10+$0x10];
	(erf) = vrcp.f32 v6;
	v6 =	vmul.f32 v18, v5;
	v18 =	vpop (erf);
	v20 =	vsub.f32 v20, v10  }
0xbd: {  	v9 =	vmul.f32 v12, v9;
	(erf) = vrcp.f32 v19;
	v3 =	vadd.f32 v11, v3  }
0xbe: {  	v24 =	vsub.f32 $0.0e+00, v2;
	v6 =	vadd.f32 $2.000000030e-01, v6;
	[tilespmem:s11+$0xFFFFFFF0] =	vst v20;
	v10 =	vpop (erf);
	(erf) = vrcp.f32 v8  }
0xbf: {  	v12 =	vmul.f32 $1.442695020e+00, v17;
	(erf) = vrcp.f32 v7;
	v25 =	vsub.f32 $0.0e+00, v3;
	v7 =	vpop (erf)  }
0xc0: {  	v10 =	vadd.f32 $1.000000000e+00, v10;
	v8 =	vsub.f32 $0.0e+00, v16;
	v19 =	vmul.f32 $1.442695020e+00, v24;
	v20 =	vld [tilespmem:s10+$0x0];
	v11 =	vpop (erf)  }
0xc1: {  	v9 =	vadd.f32 $1.000000000e+00, v9;
	v32 =	vsub.f32 $0.0e+00, v22;
	v24 =	vmul.f32 $1.442695020e+00, v25;
	v3 =	vpop (erf)  }
0xc2: {  	v29 =	vmul.f32 v6, v5;
	v30 =	vadd.f32 $1.000000000e+00, v7;
	v25 =	vmul.f32 $1.442695020e+00, v8;
	v8 =	vld [tilespmem:s30+$0xFFFFFFE0];
	v31 =	vpop (erf)  }
0xc3: {  	v6 =	vadd.f32 $1.000000000e+00, v3;
	v7 =	vmul.f32 $1.442695020e+00, v32;
	v17 =	vpop (erf);
	(erf) = vrcp.f32 v10  }
0xc4: {  	v4 =	vmul.f32 v9, v4;
	v3 =	vmovc v22;
	v9 =	vsub.f32 v11, v31;
	v10 =	vmul.f32 v17, v26  }
0xc5: {  	v13 =	vadd.f32 $1.000000000e+00, v13;
	v22 =	vsub.f32 $0.0e+00, v20;
	v17 =	vpop (erf);
	(erf) = vrcp.f32 v30  }
0xc6: {  	v29 =	vadd.f32 $3.333333430e-01, v29;
	v26 =	vmul.f32 v10, v10;
	v11 =	vpop (erf);
	(erf) = vpow2.f32 v24;
	[tilespmem:s11+$0x10] =	vst v9  }
0xc7: {  	v9 =	vadd.f32 $1.000000000e+00, v21;
	v11 =	vmul.f32 v11, v14;
	v4 =	vmul.f32 v4, v8;
	v21 =	vpop (erf)  }
0xc8: {  	v8 =	vadd.f32 $1.000000000e+00, v18;
	v24 =	vmul.f32 $1.111111120e-01, v26;
	v30 =	vpop (erf);
	(erf) = vpow2.f32 v12  }
0xc9: {  	v5 =	vmul.f32 v29, v5;
	v14 =	vmul.f32 v11, v11;
	v4 =	vadd.f32 v4, v0;
	v0 =	vmovc v16  }
0xca: {  	v17 =	vmul.f32 v17, v23;
	v18 =	vadd.f32 $1.428571490e-01, v24;
	(erf) = vrcp.f32 v9  }
0xcb: {  	v5 =	vadd.f32 $1.000000000e+00, v5;
	v12 =	vmul.f32 v30, v27;
	v16 =	vsub.f32 $0.0e+00, v4;
	v23 =	vld [tilespmem:s30+$0x0]  }
0xcc: {  	v9 =	vmul.f32 v17, v17;
	v4 =	vadd.f32 v17, v17;
	v18 =	vmul.f32 v18, v26;
	v24 =	vpop (erf)  }
0xcd: {  	v17 =	vadd.f32 v10, v10;
	v10 =	vmul.f32 $1.111111120e-01, v14;
	(erf) = vpow2.f32 v25  }
0xce: {  	v27 =	vmul.f32 v5, v28;
	v29 =	vmul.f32 $1.111111120e-01, v9;
	v18 =	vadd.f32 $2.000000030e-01, v18;
	v28 =	vpop (erf)  }
0xcf: {  	v5 =	vmul.f32 v12, v12;
	v10 =	vadd.f32 $1.428571490e-01, v10;
	(erf) = vrcp.f32 v13;
	v13 =	vpop (erf)  }
0xd0: {  	v15 =	vsub.f32 v28, v15;
	v18 =	vmul.f32 v18, v26;
	v23 =	vmul.f32 v27, v23  }
0xd1: {  	v21 =	vsub.f32 v24, v21;
	v27 =	vadd.f32 $1.428571490e-01, v29;
	v29 =	vmul.f32 v10, v14;
	v25 =	vpop (erf)  }
.Ltmp0:
0xd2: {  	v18 =	vadd.f32 $3.333333430e-01, v18;
	(erf) = vpow2.f32 v19;
	v28 =	vadd.f32 $1.000000000e+00, v25;
	[tilespmem:s11+$0xFFFFFFE0] =	vst v15;
	(pc) =	sbr.rel @p0 .LBB2_2-.Ltmp0, $4  }
0xd3: {  	v24 =	vmul.f32 $1.111111120e-01, v5;
	v25 =	vadd.f32 $2.000000030e-01, v29;
	v23 =	vadd.f32 v23, v1;
	v10 =	vpop (erf);
	[tilespmem:s11+$0x0] =	vst v21;
	s11 =	smov.u32 s9  }
0xd4: {  	s30 =	sadd.s32 $0x40, s30;
	v15 =	vmul.f32 $1.442695020e+00, v22;
	v19 =	vadd.f32 $1.000000000e+00, v13;
	v1 =	vmovc v20;
	v26 =	vmul.f32 v18, v26  }
0xd5: {  	v18 =	vadd.f32 $1.428571490e-01, v24;
	v25 =	vmul.f32 v25, v14;
	v24 =	vsub.f32 $0.0e+00, v23;
	v21 =	vld [tilespmem:s30+$0xFFFFFFF0]  }
0xd6: {  	s0 =	sadd.s32 $0x40, s0;
	v22 =	vmul.f32 v27, v9;
	v23 =	vadd.f32 $1.000000000e+00, v26;
	v20 =	vld [tilespmem:s30+$0x10];
	v13 =	vpop (erf);
	(erf) = vrcp.f32 v28  }
0xd7: {  	v25 =	vadd.f32 $3.333333430e-01, v25;
	v24 =	vmul.f32 $1.442695020e+00, v24  }
0xd8: {  	(erf) = vpow2.f32 v15;
	v57 =	vmul.f32 $1.442695020e+00, v16  }
0xd9: {  	v14 =	vmul.f32 v25, v14;
	(erf) = vpow2.f32 v24  }
0xda: {  	(erf) = vpow2.f32 v57  }
0xdb: {  	v11 =	vadd.f32 v11, v11;
	v14 =	vadd.f32 $1.000000000e+00, v14;
	_ =	sdelay $0x1  }
0xdc: {  	v11 =	vmul.f32 v14, v11  }
0xdd: {  	v58 =	vmul.f32 v23, v17;
	v59 =	vpop (erf)  }
0xde: {  	v61 =	vmul.f32 v18, v5;
	v60 =	vpop (erf);
	v11 =	vmul.f32 v11, v20  }
0xdf: {  	v62 =	vadd.f32 $2.000000030e-01, v22;
	(erf) = vrcp.f32 v19;
	v14 =	vmul.f32 v58, v21;
	v63 =	vpop (erf)  }
0xe0: {  	v22 =	vadd.f32 $2.000000030e-01, v61;
	(erf) = vpow2.f32 v7;
	v21 =	vpop (erf);
	v3 =	vadd.f32 v11, v3  }
0xe1: {  	v23 =	vmul.f32 v62, v9;
	v2 =	vadd.f32 v14, v2;
	(erf) = vrcp.f32 v6;
	v24 =	vpop (erf)  }
0xe2: {  	v11 =	vmul.f32 v22, v5;
	v3 =	vsub.f32 $0.0e+00, v3;
	v25 =	vpop (erf);
	v6 =	vadd.f32 $1.000000000e+00, v24  }
0xe3: {  	(erf) = vrcp.f32 v8;
	v2 =	vsub.f32 $0.0e+00, v2;
	v26 =	vadd.f32 $1.000000000e+00, v25  }
0xe4: {  	v27 =	vadd.f32 $3.333333430e-01, v11;
	v3 =	vmul.f32 $1.442695020e+00, v3;
	(erf) = vrcp.f32 v6  }
0xe5: {  	v28 =	vadd.f32 $3.333333430e-01, v23;
	v2 =	vmul.f32 $1.442695020e+00, v2;
	(erf) = vrcp.f32 v26  }
0xe6: {  	v29 =	vmul.f32 v27, v5;
	(erf) = vpow2.f32 v3  }
0xe7: {  	v31 =	vld [tilespmem:s30+$0x0];
	v30 =	vmul.f32 v28, v9;
	(erf) = vpow2.f32 v2  }
0xe8: {  	v32 =	vadd.f32 v12, v12;
	v33 =	vld [tilespmem:s30+$0xFFFFFFE0];
	v3 =	vadd.f32 $1.000000000e+00, v29  }
0xe9: {  	v34 =	vpop (erf);
	v5 =	vadd.f32 $1.000000000e+00, v30  }
0xea: {  	v35 =	vpop (erf);
	v3 =	vmul.f32 v3, v32  }
0xeb: {  	v4 =	vmul.f32 v5, v4;
	v36 =	vpop (erf)  }
0xec: {  	v37 =	vpop (erf);
	v2 =	vmul.f32 v3, v31  }
0xed: {  	v38 =	vmul.f32 v4, v33;
	v39 =	vpop (erf)  }
0xee: {  	v1 =	vadd.f32 v2, v1;
	v40 =	vpop (erf)  }
0xef: {  	v41 =	vadd.f32 $1.000000000e+00, v60;
	v0 =	vadd.f32 v38, v0;
	v42 =	vpop (erf)  }
0xf0: {  	v43 =	vadd.f32 $1.000000000e+00, v13;
	v1 =	vsub.f32 $0.0e+00, v1;
	v44 =	vpop (erf)  }
0xf1: {  	(erf) = vrcp.f32 v41;
	v0 =	vsub.f32 $0.0e+00, v0;
	v45 =	vadd.f32 $1.000000000e+00, v44  }
0xf2: {  	(erf) = vrcp.f32 v43;
	v1 =	vmul.f32 $1.442695020e+00, v1  }
0xf3: {  	v0 =	vmul.f32 $1.442695020e+00, v0;
	(erf) = vrcp.f32 v45  }
0xf4: {  	(erf) = vpow2.f32 v1  }
0xf5: {  	(erf) = vpow2.f32 v0;
	_ =	sdelay $0x4  }
0xf6: {  	v46 =	vpop (erf)  }
0xf7: {  	v47 =	vadd.f32 $1.000000000e+00, v42;
	v48 =	vpop (erf)  }
0xf8: {  	v49 =	vadd.f32 $1.000000000e+00, v35;
	v50 =	vpop (erf)  }
0xf9: {  	v7 =	vadd.f32 $1.000000000e+00, v21;
	(erf) = vrcp.f32 v47;
	v51 =	vpop (erf)  }
0xfa: {  	(erf) = vrcp.f32 v49;
	v52 =	vpop (erf);
	v1 =	vadd.f32 $1.000000000e+00, v51  }
0xfb: {  	(erf) = vrcp.f32 v7;
	v3 =	vadd.f32 $1.000000000e+00, v52  }
0xfc: {  	(erf) = vrcp.f32 v1  }
0xfd: {  	(erf) = vrcp.f32 v3;
	_ =	sdelay $0x2  }
0xfe: {  	v53 =	vsub.f32 v63, v10  }
0xff: {  	v54 =	vsub.f32 v34, v36  }
0x100: {  	[tilespmem:s11+$0xFFFFFFF0] =	vst v53;
	v58 =	vsub.f32 v39, v37;
	v55 =	vpop (erf)  }
0x101: {  	[tilespmem:s11+$0x10] =	vst v54;
	v56 =	vsub.f32 v40, v59;
	v57 =	vpop (erf)  }
0x102: {  	[tilespmem:s11+$0x0] =	vst v58;
	v0 =	vsub.f32 v50, v46;
	v59 =	vpop (erf)  }
0x103: {  	s0 =	sadd.s32 $0x40, s9;
	[tilespmem:s11+$0xFFFFFFE0] =	vst v56;
	v61 =	vsub.f32 v55, v57;
	v60 =	vpop (erf)  }
0x104: {  	[tilespmem:s0+$0xFFFFFFF0] =	vst v0;
	v62 =	vpop (erf);
	v1 =	vsub.f32 v60, v59  }
0x105: {  	[tilespmem:s0+$0x10] =	vst v61;
	v63 =	vsub.f32 v62, v48  }
0x106: {  	[tilespmem:s0+$0x0] =	vst v1  }
0x107: {  	[tilespmem:s0+$0xFFFFFFE0] =	vst v63  }
0x108: {  	s1 =	simm.s32 $0x5000;
	s0 =	rddreg [dreg:$0xb]  }
0x109: {  	[spmem:s0] =	stream.linear.scatter [tilespmem:s1], [sflag:$0x4], $0x400, $0x38;
	[tilespmem:$0x1F700] =	vst v63  }
0x10a: {  	_ =	swait.ge [sflag:s19], $0x400  }
0x10b: {  	[sflag:s19] =	ssyncset.done $0x0  }
0x10c: {  	[sflag:s19] =	ssyncadd.s32 $0xFFFFFC00  }
0x10d: {  	_ =	swait.ge [sflag:s22], $0x4000  }
0x10e: {  	[sflag:s22] =	ssyncset.done $0x0  }
0x10f: {  	[sflag:s22] =	ssyncadd.s32 $0xFFFFC000  }
0x110: {  	[bflag:$0x0] =	sbarrier.arrive $0xFFFF  }
0x111: {  	_ =	swait.ge [sflag:s22], $0x18700  }
0x112: {  	s9 =	simm.s32 $0x0;
	s10 =	simm.s32 $0x80;
	[sflag:s22] =	ssyncset.done $0x0  }
0x113: {  	s30 =	simm.s32 $0x8F0;
	s11 =	simm.s32 $0x0;
	[sflag:s22] =	ssyncadd.s32 $0xFFFE7900  }
.LBB2_4:
0x114: {  	s1 =	sshll.u32 s11, $0xC  }
0x115: {  	s0 =	sadd.s32 s1, s6  }
0x116: {  	[tilespmem:s29], [sflag:$0x4] =	stream.linear.gather [spmem:s0], $0x800, $0x38;
	[tilespmem:$0x1F700] =	vst v63  }
0x117: {  	_ =	swait.ge [sflag:s19], $0x800  }
0x118: {  	p0 =	seq.s32 s9, $0x0;
	[sflag:s19] =	ssyncset.done $0x0  }
0x119: {  	s0 =	simm.s32 @!p0 $0x3;
	[sflag:s19] =	ssyncadd.s32 $0xFFFFF800  }
0x11a: {  	_ =	swait.ge @!p0 [sflag:s0], $0x800  }
0x11b: {  	[sflag:s0] =	ssyncset.done @!p0 $0x0  }
0x11c: {  	[sflag:s0] =	ssyncadd.s32 @!p0 $0xFFFFF800  }
0x11d: {  	v0 =	vld [tilespmem:s10+$0x70]  }
0x11e: {  	v1 =	vld [tilespmem:s10+$0xFFFFFF90]  }
0x11f: {  	v2 =	vld [tilespmem:s10+$0xFFFFFFA0]  }
0x120: {  	v3 =	vld [tilespmem:s10+$0xFFFFFFB0]  }
0x121: {  	v4 =	vld [tilespmem:s10+$0xFFFFFFC0]  }
0x122: {  	v5 =	vld [tilespmem:s10+$0xFFFFFFD0]  }
0x123: {  	v6 =	vld [tilespmem:s10+$0xFFFFFFE0]  }
0x124: {  	s0 =	simm.s32 $0x1DB80;
	v7 =	vld [tilespmem:s10+$0xFFFFFFF0]  }
0x125: {  	v9 =	vld [tilespmem:s0+$0x70]  }
0x126: {  	v10 =	vld [tilespmem:s10+$0x10]  }
0x127: {  	v11 =	vld [tilespmem:s10+$0x20]  }
0x128: {  	v12 =	vld [tilespmem:s10+$0x30]  }
0x129: {  	v13 =	vld [tilespmem:s10+$0x40]  }
0x12a: {  	v14 =	vld [tilespmem:s10+$0x50]  }
0x12b: {  	v15 =	vld [tilespmem:s10+$0x60]  }
0x12c: {  	v16 =	vld [tilespmem:s10+$0xFFFFFF80]  }
0x12d: {  	v55 =	vld [tilespmem:s0+$0xFFFFFF90]  }
0x12e: {  	v56 =	vld [tilespmem:s0+$0xFFFFFFA0]  }
0x12f: {  	v57 =	vld [tilespmem:s0+$0xFFFFFFB0]  }
0x130: {  	v58 =	vld [tilespmem:s0+$0xFFFFFFD0]  }
0x131: {  	v59 =	vld [tilespmem:s0+$0xFFFFFFE0]  }
0x132: {  	v60 =	vld [tilespmem:s0+$0xFFFFFFF0]  }
0x133: {  	v61 =	vld [tilespmem:s0+$0x0]  }
0x134: {  	v62 =	vld [tilespmem:s0+$0x10]  }
0x135: {  	v8 =	vld.idx.msk [tilespmem:v0+s25+$0x0], $0xffff  }
0x136: {  	v0 =	vld [tilespmem:s10+$0x0]  }
0x137: {  	v17 =	vld.idx.msk [tilespmem:v1+s25+$0x0], $0xffff  }
0x138: {  	v18 =	vld.idx.msk [tilespmem:v2+s25+$0x0], $0xffff  }
0x139: {  	v19 =	vld.idx.msk [tilespmem:v3+s25+$0x0], $0xffff  }
0x13a: {  	v20 =	vld.idx.msk [tilespmem:v4+s25+$0x0], $0xffff  }
0x13b: {  	v5 =	vld.idx.msk [tilespmem:v5+s25+$0x0], $0xffff  }
0x13c: {  	v16 =	vld.idx.msk [tilespmem:v16+s25+$0x0], $0xffff  }
0x13d: {  	v4 =	vld.idx.msk [tilespmem:v11+s25+$0x0], $0xffff  }
0x13e: {  	v11 =	vld [tilespmem:s0+$0xFFFFFF80]  }
0x13f: {  	v6 =	vld.idx.msk [tilespmem:v6+s25+$0x0], $0xffff  }
0x140: {  	v7 =	vld.idx.msk [tilespmem:v7+s25+$0x0], $0xffff  }
0x141: {  	v10 =	vld.idx.msk [tilespmem:v10+s25+$0x0], $0xffff  }
0x142: {  	v8 =	vmul.f32 v9, v8;
	v9 =	vld [tilespmem:s0+$0xFFFFFFC0]  }
0x143: {  	s13 =	simm.s32 $0x1E380;
	v3 =	vld.idx.msk [tilespmem:v12+s25+$0x0], $0xffff;
	v11 =	vmul.f32 v11, v16  }
0x144: {  	v2 =	vld.idx.msk [tilespmem:v13+s25+$0x0], $0xffff;
	[tilespmem:s13+$0x70] =	vst v8;
	v8 =	vmul.f32 v55, v17  }
0x145: {  	v1 =	vld.idx.msk [tilespmem:v14+s25+$0x0], $0xffff;
	v63 =	vmul.f32 v60, v7;
	[tilespmem:s13+$0xFFFFFF80] =	vst v11  }
0x146: {  	v21 =	vld.idx.msk [tilespmem:v0+s25+$0x0], $0xffff;
	[tilespmem:s13+$0xFFFFFF90] =	vst v8;
	v8 =	vmul.f32 v57, v19  }
0x147: {  	v7 =	vld [tilespmem:s0+$0x40];
	[tilespmem:s13+$0xFFFFFFF0] =	vst v63;
	v9 =	vmul.f32 v9, v20  }
0x148: {  	v11 =	vmul.f32 v56, v18;
	[tilespmem:s13+$0xFFFFFFB0] =	vst v8;
	v8 =	vmul.f32 v58, v5;
	v5 =	vld [tilespmem:s0+$0x20]  }
0x149: {  	[tilespmem:s13+$0xFFFFFFC0] =	vst v9;
	v9 =	vmul.f32 v59, v6;
	v6 =	vld [tilespmem:s0+$0x30]  }
0x14a: {  	v0 =	vld.idx.msk [tilespmem:v15+s25+$0x0], $0xffff;
	[tilespmem:s13+$0xFFFFFFA0] =	vst v11  }
0x14b: {  	[tilespmem:s13+$0xFFFFFFD0] =	vst v8;
	v8 =	vld [tilespmem:s0+$0x50];
	v11 =	vmul.f32 v61, v21  }
0x14c: {  	s15 =	simm.s32 $0x0;
	s28 =	sadd.s32 $0x100, s10;
	v10 =	vmul.f32 v62, v10;
	[tilespmem:s13+$0xFFFFFFE0] =	vst v9;
	v9 =	vld [tilespmem:s0+$0x60]  }
.LBB2_5:
0x14d: {  	v12 =	vld [tilespmem:s28+$0x70];
	s15 =	sadd.s32 $0x10, s15;
	[tilespmem:s13+$0x0] =	vst v11;
	v4 =	vmul.f32 v5, v4  }
0x14e: {  	v5 =	vld [tilespmem:s28+$0xFFFFFF90];
	p1 =	slt.u32 s15, $0x70;
	[tilespmem:s13+$0x10] =	vst v10;
	v3 =	vmul.f32 v6, v3  }
0x14f: {  	v6 =	vld [tilespmem:s28+$0xFFFFFFA0];
	[tilespmem:s13+$0x20] =	vst v4;
	v2 =	vmul.f32 v7, v2  }
0x150: {  	v4 =	vld [tilespmem:s28+$0xFFFFFFB0];
	[tilespmem:s13+$0x30] =	vst v3;
	v1 =	vmul.f32 v8, v1  }
0x151: {  	v3 =	vld [tilespmem:s28+$0xFFFFFFC0];
	[tilespmem:s13+$0x40] =	vst v2;
	v0 =	vmul.f32 v9, v0  }
0x152: {  	v2 =	vld [tilespmem:s28+$0xFFFFFFD0];
	[tilespmem:s13+$0x50] =	vst v1  }
0x153: {  	v1 =	vld [tilespmem:s28+$0xFFFFFFE0];
	[tilespmem:s13+$0x60] =	vst v0  }
0x154: {  	v0 =	vld [tilespmem:s28+$0xFFFFFFF0]  }
0x155: {  	s0 =	sadd.s32 $0x100, s0;
	v7 =	vld.idx.msk [tilespmem:v12+s25+$0x0], $0xffff  }
0x156: {  	v8 =	vld [tilespmem:s0+$0x70]  }
0x157: {  	v9 =	vld [tilespmem:s28+$0x0]  }
0x158: {  	v10 =	vld [tilespmem:s28+$0x10]  }
0x159: {  	v11 =	vld [tilespmem:s28+$0x20]  }
0x15a: {  	v12 =	vld [tilespmem:s28+$0x30]  }
0x15b: {  	v13 =	vld [tilespmem:s28+$0x40];
	v7 =	vmul.f32 v8, v7  }
0x15c: {  	s13 =	sadd.s32 $0x100, s13;
	v8 =	vld [tilespmem:s28+$0x50]  }
0x15d: {  	v14 =	vld [tilespmem:s28+$0x60];
	[tilespmem:s13+$0x70] =	vst v7  }
0x15e: {  	v7 =	vld [tilespmem:s28+$0xFFFFFF80]  }
0x15f: {  	v5 =	vld.idx.msk [tilespmem:v5+s25+$0x0], $0xffff  }
0x160: {  	v6 =	vld.idx.msk [tilespmem:v6+s25+$0x0], $0xffff  }
0x161: {  	v15 =	vld.idx.msk [tilespmem:v4+s25+$0x0], $0xffff  }
0x162: {  	v16 =	vld.idx.msk [tilespmem:v3+s25+$0x0], $0xffff  }
0x163: {  	v17 =	vld.idx.msk [tilespmem:v2+s25+$0x0], $0xffff  }
0x164: {  	v18 =	vld.idx.msk [tilespmem:v1+s25+$0x0], $0xffff  }
0x165: {  	v19 =	vld.idx.msk [tilespmem:v0+s25+$0x0], $0xffff  }
0x166: {  	v7 =	vld.idx.msk [tilespmem:v7+s25+$0x0], $0xffff  }
0x167: {  	v9 =	vld.idx.msk [tilespmem:v9+s25+$0x0], $0xffff  }
0x168: {  	v10 =	vld.idx.msk [tilespmem:v10+s25+$0x0], $0xffff  }
0x169: {  	v4 =	vld.idx.msk [tilespmem:v11+s25+$0x0], $0xffff  }
0x16a: {  	v3 =	vld.idx.msk [tilespmem:v12+s25+$0x0], $0xffff  }
0x16b: {  	v2 =	vld.idx.msk [tilespmem:v13+s25+$0x0], $0xffff  }
0x16c: {  	v1 =	vld.idx.msk [tilespmem:v8+s25+$0x0], $0xffff  }
0x16d: {  	v0 =	vld.idx.msk [tilespmem:v14+s25+$0x0], $0xffff  }
0x16e: {  	v8 =	vld [tilespmem:s0+$0xFFFFFF80]  }
0x16f: {  	v11 =	vld [tilespmem:s0+$0xFFFFFF90]  }
0x170: {  	v12 =	vld [tilespmem:s0+$0xFFFFFFA0]  }
0x171: {  	v13 =	vld [tilespmem:s0+$0xFFFFFFB0]  }
0x172: {  	v14 =	vld [tilespmem:s0+$0xFFFFFFC0]  }
0x173: {  	v7 =	vmul.f32 v8, v7;
	v8 =	vld [tilespmem:s0+$0xFFFFFFD0]  }
0x174: {  	v5 =	vmul.f32 v11, v5;
	v11 =	vld [tilespmem:s0+$0xFFFFFFE0]  }
0x175: {  	[tilespmem:s13+$0xFFFFFF80] =	vst v7;
	v6 =	vmul.f32 v12, v6;
	v7 =	vld [tilespmem:s0+$0xFFFFFFF0]  }
0x176: {  	[tilespmem:s13+$0xFFFFFF90] =	vst v5;
	v5 =	vmul.f32 v13, v15;
	v12 =	vld [tilespmem:s0+$0x0]  }
0x177: {  	[tilespmem:s13+$0xFFFFFFA0] =	vst v6;
	v6 =	vmul.f32 v14, v16;
	v13 =	vld [tilespmem:s0+$0x10]  }
.Ltmp1:
0x178: {  	[tilespmem:s13+$0xFFFFFFB0] =	vst v5;
	v8 =	vmul.f32 v8, v17;
	v5 =	vld [tilespmem:s0+$0x20];
	(pc) =	sbr.rel @p1 .LBB2_5-.Ltmp1, $4  }
0x179: {  	[tilespmem:s13+$0xFFFFFFC0] =	vst v6;
	v11 =	vmul.f32 v11, v18;
	v6 =	vld [tilespmem:s0+$0x30]  }
0x17a: {  	[tilespmem:s13+$0xFFFFFFD0] =	vst v8;
	v14 =	vmul.f32 v7, v19;
	v7 =	vld [tilespmem:s0+$0x40]  }
0x17b: {  	[tilespmem:s13+$0xFFFFFFE0] =	vst v11;
	v11 =	vmul.f32 v12, v9;
	v8 =	vld [tilespmem:s0+$0x50]  }
0x17c: {  	s28 =	sadd.s32 $0x100, s28;
	[tilespmem:s13+$0xFFFFFFF0] =	vst v14;
	v10 =	vmul.f32 v13, v10;
	v9 =	vld [tilespmem:s0+$0x60]  }
0x17d: {  	[tilespmem:s13+$0x0] =	vst v11;
	v4 =	vmul.f32 v5, v4  }
0x17e: {  	[tilespmem:s13+$0x10] =	vst v10;
	v3 =	vmul.f32 v6, v3  }
0x17f: {  	[tilespmem:s13+$0x20] =	vst v4;
	v2 =	vmul.f32 v7, v2  }
0x180: {  	s0 =	sshll.u32 s11, $0xF;
	[tilespmem:s13+$0x30] =	vst v3;
	v1 =	vmul.f32 v8, v1  }
0x181: {  	s0 =	sadd.s32 s12, s0;
	[tilespmem:s13+$0x40] =	vst v2;
	v0 =	vmul.f32 v9, v0  }
0x182: {  	s0 =	sshrl.u32 s0, $0x3;
	[tilespmem:s13+$0x50] =	vst v1  }
0x183: {  	s1 =	sor.u32 $0x800, s1;
	s0 =	sadd.s32 s5, s0;
	[tilespmem:s13+$0x60] =	vst v0  }
0x184: {  	[hbm4b:s0+s20] =	stream.strided.scatter [tilespmem:s21], [sflag:$0x3], $0x800, s24, s20, $0x38;
	[tilespmem:$0x1F700] =	vst v63  }
0x185: {  	s15 =	sadd.s32 s1, s6  }
0x186: {  	[tilespmem:s29], [sflag:$0x4] =	stream.linear.gather [spmem:s15], $0x800, $0x38;
	[tilespmem:$0x1F700] =	vst v63  }
0x187: {  	_ =	swait.ge [sflag:s19], $0x800  }
0x188: {  	[sflag:s19] =	ssyncset.done $0x0  }
0x189: {  	s0 =	simm.s32 @!p0 $0x3;
	[sflag:s19] =	ssyncadd.s32 $0xFFFFF800  }
0x18a: {  	_ =	swait.ge @!p0 [sflag:s0], $0x800  }
0x18b: {  	[sflag:s0] =	ssyncset.done @!p0 $0x0  }
0x18c: {  	[sflag:s0] =	ssyncadd.s32 @!p0 $0xFFFFF800  }
0x18d: {  	v0 =	vld [tilespmem:s30+$0x0]  }
0x18e: {  	v1 =	vld [tilespmem:s30+$0xFFFFFF20]  }
0x18f: {  	v2 =	vld [tilespmem:s30+$0xFFFFFF30]  }
0x190: {  	v3 =	vld [tilespmem:s30+$0xFFFFFF40]  }
0x191: {  	v4 =	vld [tilespmem:s30+$0xFFFFFF50]  }
0x192: {  	v5 =	vld [tilespmem:s30+$0xFFFFFF60]  }
0x193: {  	v6 =	vld [tilespmem:s30+$0xFFFFFF70]  }
0x194: {  	s0 =	simm.s32 $0x1DB80;
	v7 =	vld [tilespmem:s30+$0xFFFFFF80]  }
0x195: {  	v9 =	vld [tilespmem:s0+$0x70]  }
0x196: {  	v10 =	vld [tilespmem:s30+$0xFFFFFFA0]  }
0x197: {  	v11 =	vld [tilespmem:s30+$0xFFFFFFB0]  }
0x198: {  	v12 =	vld [tilespmem:s30+$0xFFFFFFC0]  }
0x199: {  	v13 =	vld [tilespmem:s30+$0xFFFFFFD0]  }
0x19a: {  	v14 =	vld [tilespmem:s30+$0xFFFFFFE0]  }
0x19b: {  	v15 =	vld [tilespmem:s30+$0xFFFFFFF0]  }
0x19c: {  	v16 =	vld [tilespmem:s30+$0xFFFFFF10]  }
0x19d: {  	v55 =	vld [tilespmem:s0+$0xFFFFFF90]  }
0x19e: {  	v56 =	vld [tilespmem:s0+$0xFFFFFFA0]  }
0x19f: {  	v57 =	vld [tilespmem:s0+$0xFFFFFFB0]  }
0x1a0: {  	v58 =	vld [tilespmem:s0+$0xFFFFFFD0]  }
0x1a1: {  	v59 =	vld [tilespmem:s0+$0xFFFFFFE0]  }
0x1a2: {  	v60 =	vld [tilespmem:s0+$0xFFFFFFF0]  }
0x1a3: {  	v61 =	vld [tilespmem:s0+$0x0]  }
0x1a4: {  	v62 =	vld [tilespmem:s0+$0x10]  }
0x1a5: {  	v8 =	vld.idx.msk [tilespmem:v0+s25+$0x0], $0xffff  }
0x1a6: {  	v0 =	vld [tilespmem:s30+$0xFFFFFF90]  }
0x1a7: {  	v17 =	vld.idx.msk [tilespmem:v1+s25+$0x0], $0xffff  }
0x1a8: {  	v18 =	vld.idx.msk [tilespmem:v2+s25+$0x0], $0xffff  }
0x1a9: {  	v19 =	vld.idx.msk [tilespmem:v3+s25+$0x0], $0xffff  }
0x1aa: {  	v20 =	vld.idx.msk [tilespmem:v4+s25+$0x0], $0xffff  }
0x1ab: {  	v5 =	vld.idx.msk [tilespmem:v5+s25+$0x0], $0xffff  }
0x1ac: {  	v16 =	vld.idx.msk [tilespmem:v16+s25+$0x0], $0xffff  }
0x1ad: {  	v4 =	vld.idx.msk [tilespmem:v11+s25+$0x0], $0xffff  }
0x1ae: {  	v11 =	vld [tilespmem:s0+$0xFFFFFF80]  }
0x1af: {  	v6 =	vld.idx.msk [tilespmem:v6+s25+$0x0], $0xffff  }
0x1b0: {  	v7 =	vld.idx.msk [tilespmem:v7+s25+$0x0], $0xffff  }
0x1b1: {  	v10 =	vld.idx.msk [tilespmem:v10+s25+$0x0], $0xffff  }
0x1b2: {  	v8 =	vmul.f32 v9, v8;
	v9 =	vld [tilespmem:s0+$0xFFFFFFC0]  }
0x1b3: {  	s13 =	simm.s32 $0x1EB80;
	v3 =	vld.idx.msk [tilespmem:v12+s25+$0x0], $0xffff;
	v11 =	vmul.f32 v11, v16  }
0x1b4: {  	v2 =	vld.idx.msk [tilespmem:v13+s25+$0x0], $0xffff;
	[tilespmem:s13+$0x70] =	vst v8;
	v8 =	vmul.f32 v55, v17  }
0x1b5: {  	v1 =	vld.idx.msk [tilespmem:v14+s25+$0x0], $0xffff;
	v63 =	vmul.f32 v60, v7;
	[tilespmem:s13+$0xFFFFFF80] =	vst v11  }
0x1b6: {  	v21 =	vld.idx.msk [tilespmem:v0+s25+$0x0], $0xffff;
	[tilespmem:s13+$0xFFFFFF90] =	vst v8;
	v8 =	vmul.f32 v57, v19  }
0x1b7: {  	v7 =	vld [tilespmem:s0+$0x40];
	[tilespmem:s13+$0xFFFFFFF0] =	vst v63;
	v9 =	vmul.f32 v9, v20  }
0x1b8: {  	v11 =	vmul.f32 v56, v18;
	[tilespmem:s13+$0xFFFFFFB0] =	vst v8;
	v8 =	vmul.f32 v58, v5;
	v5 =	vld [tilespmem:s0+$0x20]  }
0x1b9: {  	[tilespmem:s13+$0xFFFFFFC0] =	vst v9;
	v9 =	vmul.f32 v59, v6;
	v6 =	vld [tilespmem:s0+$0x30]  }
0x1ba: {  	v0 =	vld.idx.msk [tilespmem:v15+s25+$0x0], $0xffff;
	[tilespmem:s13+$0xFFFFFFA0] =	vst v11  }
0x1bb: {  	[tilespmem:s13+$0xFFFFFFD0] =	vst v8;
	v8 =	vld [tilespmem:s0+$0x50];
	v11 =	vmul.f32 v61, v21  }
0x1bc: {  	s28 =	sadd.s32 $0x100, s30;
	s15 =	simm.s32 $0x0;
	v10 =	vmul.f32 v62, v10;
	[tilespmem:s13+$0xFFFFFFE0] =	vst v9;
	v9 =	vld [tilespmem:s0+$0x60]  }
.LBB2_7:
0x1bd: {  	v12 =	vld [tilespmem:s28+$0x0];
	s15 =	sadd.s32 $0x10, s15;
	[tilespmem:s13+$0x0] =	vst v11;
	v4 =	vmul.f32 v5, v4  }
0x1be: {  	v5 =	vld [tilespmem:s28+$0xFFFFFF20];
	p0 =	slt.u32 s15, $0x70;
	[tilespmem:s13+$0x10] =	vst v10;
	v3 =	vmul.f32 v6, v3  }
0x1bf: {  	v6 =	vld [tilespmem:s28+$0xFFFFFF30];
	[tilespmem:s13+$0x20] =	vst v4;
	v2 =	vmul.f32 v7, v2  }
0x1c0: {  	v4 =	vld [tilespmem:s28+$0xFFFFFF40];
	[tilespmem:s13+$0x30] =	vst v3;
	v1 =	vmul.f32 v8, v1  }
0x1c1: {  	v3 =	vld [tilespmem:s28+$0xFFFFFF50];
	[tilespmem:s13+$0x40] =	vst v2;
	v0 =	vmul.f32 v9, v0  }
0x1c2: {  	v2 =	vld [tilespmem:s28+$0xFFFFFF60];
	[tilespmem:s13+$0x50] =	vst v1  }
0x1c3: {  	v1 =	vld [tilespmem:s28+$0xFFFFFF70];
	[tilespmem:s13+$0x60] =	vst v0  }
0x1c4: {  	v0 =	vld [tilespmem:s28+$0xFFFFFF80]  }
0x1c5: {  	s0 =	sadd.s32 $0x100, s0;
	v7 =	vld.idx.msk [tilespmem:v12+s25+$0x0], $0xffff  }
0x1c6: {  	v8 =	vld [tilespmem:s0+$0x70]  }
0x1c7: {  	v9 =	vld [tilespmem:s28+$0xFFFFFF90]  }
0x1c8: {  	v10 =	vld [tilespmem:s28+$0xFFFFFFA0]  }
0x1c9: {  	v11 =	vld [tilespmem:s28+$0xFFFFFFB0]  }
0x1ca: {  	v12 =	vld [tilespmem:s28+$0xFFFFFFC0]  }
0x1cb: {  	v13 =	vld [tilespmem:s28+$0xFFFFFFD0];
	v7 =	vmul.f32 v8, v7  }
0x1cc: {  	s13 =	sadd.s32 $0x100, s13;
	v8 =	vld [tilespmem:s28+$0xFFFFFFE0]  }
0x1cd: {  	v14 =	vld [tilespmem:s28+$0xFFFFFFF0];
	[tilespmem:s13+$0x70] =	vst v7  }
0x1ce: {  	v7 =	vld [tilespmem:s28+$0xFFFFFF10]  }
0x1cf: {  	v5 =	vld.idx.msk [tilespmem:v5+s25+$0x0], $0xffff  }
0x1d0: {  	v6 =	vld.idx.msk [tilespmem:v6+s25+$0x0], $0xffff  }
0x1d1: {  	v15 =	vld.idx.msk [tilespmem:v4+s25+$0x0], $0xffff  }
0x1d2: {  	v16 =	vld.idx.msk [tilespmem:v3+s25+$0x0], $0xffff  }
0x1d3: {  	v17 =	vld.idx.msk [tilespmem:v2+s25+$0x0], $0xffff  }
0x1d4: {  	v18 =	vld.idx.msk [tilespmem:v1+s25+$0x0], $0xffff  }
0x1d5: {  	v19 =	vld.idx.msk [tilespmem:v0+s25+$0x0], $0xffff  }
0x1d6: {  	v7 =	vld.idx.msk [tilespmem:v7+s25+$0x0], $0xffff  }
0x1d7: {  	v9 =	vld.idx.msk [tilespmem:v9+s25+$0x0], $0xffff  }
0x1d8: {  	v10 =	vld.idx.msk [tilespmem:v10+s25+$0x0], $0xffff  }
0x1d9: {  	v4 =	vld.idx.msk [tilespmem:v11+s25+$0x0], $0xffff  }
0x1da: {  	v3 =	vld.idx.msk [tilespmem:v12+s25+$0x0], $0xffff  }
0x1db: {  	v2 =	vld.idx.msk [tilespmem:v13+s25+$0x0], $0xffff  }
0x1dc: {  	v1 =	vld.idx.msk [tilespmem:v8+s25+$0x0], $0xffff  }
0x1dd: {  	v0 =	vld.idx.msk [tilespmem:v14+s25+$0x0], $0xffff  }
0x1de: {  	v8 =	vld [tilespmem:s0+$0xFFFFFF80]  }
0x1df: {  	v11 =	vld [tilespmem:s0+$0xFFFFFF90]  }
0x1e0: {  	v12 =	vld [tilespmem:s0+$0xFFFFFFA0]  }
0x1e1: {  	v13 =	vld [tilespmem:s0+$0xFFFFFFB0]  }
0x1e2: {  	v14 =	vld [tilespmem:s0+$0xFFFFFFC0]  }
0x1e3: {  	v7 =	vmul.f32 v8, v7;
	v8 =	vld [tilespmem:s0+$0xFFFFFFD0]  }
0x1e4: {  	v5 =	vmul.f32 v11, v5;
	v11 =	vld [tilespmem:s0+$0xFFFFFFE0]  }
0x1e5: {  	[tilespmem:s13+$0xFFFFFF80] =	vst v7;
	v6 =	vmul.f32 v12, v6;
	v7 =	vld [tilespmem:s0+$0xFFFFFFF0]  }
0x1e6: {  	[tilespmem:s13+$0xFFFFFF90] =	vst v5;
	v5 =	vmul.f32 v13, v15;
	v12 =	vld [tilespmem:s0+$0x0]  }
0x1e7: {  	[tilespmem:s13+$0xFFFFFFA0] =	vst v6;
	v6 =	vmul.f32 v14, v16;
	v13 =	vld [tilespmem:s0+$0x10]  }
.Ltmp2:
0x1e8: {  	[tilespmem:s13+$0xFFFFFFB0] =	vst v5;
	v8 =	vmul.f32 v8, v17;
	v5 =	vld [tilespmem:s0+$0x20];
	(pc) =	sbr.rel @p0 .LBB2_7-.Ltmp2, $4  }
0x1e9: {  	[tilespmem:s13+$0xFFFFFFC0] =	vst v6;
	v11 =	vmul.f32 v11, v18;
	v6 =	vld [tilespmem:s0+$0x30]  }
0x1ea: {  	[tilespmem:s13+$0xFFFFFFD0] =	vst v8;
	v14 =	vmul.f32 v7, v19;
	v7 =	vld [tilespmem:s0+$0x40]  }
0x1eb: {  	[tilespmem:s13+$0xFFFFFFE0] =	vst v11;
	v11 =	vmul.f32 v12, v9;
	v8 =	vld [tilespmem:s0+$0x50]  }
0x1ec: {  	s28 =	sadd.s32 $0x100, s28;
	[tilespmem:s13+$0xFFFFFFF0] =	vst v14;
	v10 =	vmul.f32 v13, v10;
	v9 =	vld [tilespmem:s0+$0x60]  }
0x1ed: {  	[tilespmem:s13+$0x0] =	vst v11;
	v4 =	vmul.f32 v5, v4  }
0x1ee: {  	s11 =	sadd.s32 $0x1, s11;
	[tilespmem:s13+$0x10] =	vst v10;
	v3 =	vmul.f32 v6, v3  }
0x1ef: {  	p0 =	sne.s32 s11, $0x4;
	[tilespmem:s13+$0x20] =	vst v4;
	v2 =	vmul.f32 v7, v2  }
.Ltmp3:
0x1f0: {  	[tilespmem:s13+$0x30] =	vst v3;
	v1 =	vmul.f32 v8, v1;
	(pc) =	sbr.rel @p0 .LBB2_4-.Ltmp3, $4  }
0x1f1: {  	[tilespmem:s13+$0x40] =	vst v2;
	v0 =	vmul.f32 v9, v0  }
0x1f2: {  	s0 =	sadd.s32 s16, s1;
	[tilespmem:s13+$0x50] =	vst v1  }
0x1f3: {  	s9 =	sadd.s32 $0x2, s9;
	s10 =	sadd.s32 $0x1000, s10;
	s30 =	sadd.s32 $0x1000, s30;
	[tilespmem:s13+$0x60] =	vst v0  }
0x1f4: {  	[hbm4b:s0+s20] =	stream.strided.scatter [tilespmem:s23], [sflag:$0x3], $0x800, s24, s20, $0x38;
	[tilespmem:$0x1F700] =	vst v63  }
0x1f5: {  	s9 =	simm.s32 $0x80;
	s0 =	rddreg [dreg:$0xc]  }
0x1f6: {  	[tilespmem:s25], [sflag:$0x2] =	stream.strided.gather [hbm4b:s0+s9], $0x18700, s24, s9, $0x38;
	[tilespmem:$0x1F700] =	vst v63  }
0x1f7: {  	_ =	swait.ge [sflag:s22], $0x18700  }
0x1f8: {  	[sflag:s22] =	ssyncset.done $0x0  }
0x1f9: {  	s10 =	simm.s32 $0x0;
	s11 =	simm.s32 $0x8F0;
	[sflag:s22] =	ssyncadd.s32 $0xFFFE7900  }
.LBB2_10:
0x1fa: {  	s1 =	sshll.u32 s10, $0xC  }
0x1fb: {  	s0 =	sadd.s32 s1, s6  }
0x1fc: {  	[tilespmem:s29], [sflag:$0x4] =	stream.linear.gather [spmem:s0], $0x800, $0x38;
	[tilespmem:$0x1F700] =	vst v63  }
0x1fd: {  	_ =	swait.ge [sflag:s19], $0x800  }
0x1fe: {  	[sflag:s19] =	ssyncset.done $0x0  }
0x1ff: {  	[sflag:s19] =	ssyncadd.s32 $0xFFFFF800  }
0x200: {  	_ =	swait.ge [sflag:s8], $0x800  }
0x201: {  	[sflag:s8] =	ssyncset.done $0x0  }
0x202: {  	[sflag:s8] =	ssyncadd.s32 $0xFFFFF800  }
0x203: {  	v0 =	vld [tilespmem:s9+$0x70]  }
0x204: {  	v1 =	vld [tilespmem:s9+$0xFFFFFF90]  }
0x205: {  	v2 =	vld [tilespmem:s9+$0xFFFFFFA0]  }
0x206: {  	v3 =	vld [tilespmem:s9+$0xFFFFFFB0]  }
0x207: {  	v4 =	vld [tilespmem:s9+$0xFFFFFFC0]  }
0x208: {  	v5 =	vld [tilespmem:s9+$0xFFFFFFD0]  }
0x209: {  	v6 =	vld [tilespmem:s9+$0xFFFFFFE0]  }
0x20a: {  	s0 =	simm.s32 $0x1DB80;
	v7 =	vld [tilespmem:s9+$0xFFFFFFF0]  }
0x20b: {  	v9 =	vld [tilespmem:s0+$0x70]  }
0x20c: {  	v10 =	vld [tilespmem:s9+$0x10]  }
0x20d: {  	v11 =	vld [tilespmem:s9+$0x20]  }
0x20e: {  	v12 =	vld [tilespmem:s9+$0x30]  }
0x20f: {  	v13 =	vld [tilespmem:s9+$0x40]  }
0x210: {  	v14 =	vld [tilespmem:s9+$0x50]  }
0x211: {  	v15 =	vld [tilespmem:s9+$0x60]  }
0x212: {  	v16 =	vld [tilespmem:s9+$0xFFFFFF80]  }
0x213: {  	v55 =	vld [tilespmem:s0+$0xFFFFFF90]  }
0x214: {  	v56 =	vld [tilespmem:s0+$0xFFFFFFA0]  }
0x215: {  	v57 =	vld [tilespmem:s0+$0xFFFFFFB0]  }
0x216: {  	v58 =	vld [tilespmem:s0+$0xFFFFFFD0]  }
0x217: {  	v59 =	vld [tilespmem:s0+$0xFFFFFFE0]  }
0x218: {  	v60 =	vld [tilespmem:s0+$0xFFFFFFF0]  }
0x219: {  	v61 =	vld [tilespmem:s0+$0x0]  }
0x21a: {  	v62 =	vld [tilespmem:s0+$0x10]  }
0x21b: {  	v8 =	vld.idx.msk [tilespmem:v0+s25+$0x0], $0xffff  }
0x21c: {  	v0 =	vld [tilespmem:s9+$0x0]  }
0x21d: {  	v17 =	vld.idx.msk [tilespmem:v1+s25+$0x0], $0xffff  }
0x21e: {  	v18 =	vld.idx.msk [tilespmem:v2+s25+$0x0], $0xffff  }
0x21f: {  	v19 =	vld.idx.msk [tilespmem:v3+s25+$0x0], $0xffff  }
0x220: {  	v20 =	vld.idx.msk [tilespmem:v4+s25+$0x0], $0xffff  }
0x221: {  	v5 =	vld.idx.msk [tilespmem:v5+s25+$0x0], $0xffff  }
0x222: {  	v16 =	vld.idx.msk [tilespmem:v16+s25+$0x0], $0xffff  }
0x223: {  	v4 =	vld.idx.msk [tilespmem:v11+s25+$0x0], $0xffff  }
0x224: {  	v11 =	vld [tilespmem:s0+$0xFFFFFF80]  }
0x225: {  	v6 =	vld.idx.msk [tilespmem:v6+s25+$0x0], $0xffff  }
0x226: {  	v7 =	vld.idx.msk [tilespmem:v7+s25+$0x0], $0xffff  }
0x227: {  	v10 =	vld.idx.msk [tilespmem:v10+s25+$0x0], $0xffff  }
0x228: {  	v8 =	vmul.f32 v9, v8;
	v9 =	vld [tilespmem:s0+$0xFFFFFFC0]  }
0x229: {  	s13 =	simm.s32 $0x1E380;
	v3 =	vld.idx.msk [tilespmem:v12+s25+$0x0], $0xffff;
	v11 =	vmul.f32 v11, v16  }
0x22a: {  	v2 =	vld.idx.msk [tilespmem:v13+s25+$0x0], $0xffff;
	[tilespmem:s13+$0x70] =	vst v8;
	v8 =	vmul.f32 v55, v17  }
0x22b: {  	v1 =	vld.idx.msk [tilespmem:v14+s25+$0x0], $0xffff;
	v63 =	vmul.f32 v60, v7;
	[tilespmem:s13+$0xFFFFFF80] =	vst v11  }
0x22c: {  	v21 =	vld.idx.msk [tilespmem:v0+s25+$0x0], $0xffff;
	[tilespmem:s13+$0xFFFFFF90] =	vst v8;
	v8 =	vmul.f32 v57, v19  }
0x22d: {  	v7 =	vld [tilespmem:s0+$0x40];
	[tilespmem:s13+$0xFFFFFFF0] =	vst v63;
	v9 =	vmul.f32 v9, v20  }
0x22e: {  	v11 =	vmul.f32 v56, v18;
	[tilespmem:s13+$0xFFFFFFB0] =	vst v8;
	v8 =	vmul.f32 v58, v5;
	v5 =	vld [tilespmem:s0+$0x20]  }
0x22f: {  	[tilespmem:s13+$0xFFFFFFC0] =	vst v9;
	v9 =	vmul.f32 v59, v6;
	v6 =	vld [tilespmem:s0+$0x30]  }
0x230: {  	v0 =	vld.idx.msk [tilespmem:v15+s25+$0x0], $0xffff;
	[tilespmem:s13+$0xFFFFFFA0] =	vst v11  }
0x231: {  	[tilespmem:s13+$0xFFFFFFD0] =	vst v8;
	v8 =	vld [tilespmem:s0+$0x50];
	v11 =	vmul.f32 v61, v21  }
0x232: {  	s15 =	simm.s32 $0x0;
	s28 =	sadd.s32 $0x100, s9;
	v10 =	vmul.f32 v62, v10;
	[tilespmem:s13+$0xFFFFFFE0] =	vst v9;
	v9 =	vld [tilespmem:s0+$0x60]  }
.LBB2_11:
0x233: {  	v12 =	vld [tilespmem:s28+$0x70];
	s15 =	sadd.s32 $0x10, s15;
	[tilespmem:s13+$0x0] =	vst v11;
	v4 =	vmul.f32 v5, v4  }
0x234: {  	v5 =	vld [tilespmem:s28+$0xFFFFFF90];
	p0 =	slt.u32 s15, $0x70;
	[tilespmem:s13+$0x10] =	vst v10;
	v3 =	vmul.f32 v6, v3  }
0x235: {  	v6 =	vld [tilespmem:s28+$0xFFFFFFA0];
	[tilespmem:s13+$0x20] =	vst v4;
	v2 =	vmul.f32 v7, v2  }
0x236: {  	v4 =	vld [tilespmem:s28+$0xFFFFFFB0];
	[tilespmem:s13+$0x30] =	vst v3;
	v1 =	vmul.f32 v8, v1  }
0x237: {  	v3 =	vld [tilespmem:s28+$0xFFFFFFC0];
	[tilespmem:s13+$0x40] =	vst v2;
	v0 =	vmul.f32 v9, v0  }
0x238: {  	v2 =	vld [tilespmem:s28+$0xFFFFFFD0];
	[tilespmem:s13+$0x50] =	vst v1  }
0x239: {  	v1 =	vld [tilespmem:s28+$0xFFFFFFE0];
	[tilespmem:s13+$0x60] =	vst v0  }
0x23a: {  	v0 =	vld [tilespmem:s28+$0xFFFFFFF0]  }
0x23b: {  	s0 =	sadd.s32 $0x100, s0;
	v7 =	vld.idx.msk [tilespmem:v12+s25+$0x0], $0xffff  }
0x23c: {  	v8 =	vld [tilespmem:s0+$0x70]  }
0x23d: {  	v9 =	vld [tilespmem:s28+$0x0]  }
0x23e: {  	v10 =	vld [tilespmem:s28+$0x10]  }
0x23f: {  	v11 =	vld [tilespmem:s28+$0x20]  }
0x240: {  	v12 =	vld [tilespmem:s28+$0x30]  }
0x241: {  	v13 =	vld [tilespmem:s28+$0x40];
	v7 =	vmul.f32 v8, v7  }
0x242: {  	s13 =	sadd.s32 $0x100, s13;
	v8 =	vld [tilespmem:s28+$0x50]  }
0x243: {  	v14 =	vld [tilespmem:s28+$0x60];
	[tilespmem:s13+$0x70] =	vst v7  }
0x244: {  	v7 =	vld [tilespmem:s28+$0xFFFFFF80]  }
0x245: {  	v5 =	vld.idx.msk [tilespmem:v5+s25+$0x0], $0xffff  }
0x246: {  	v6 =	vld.idx.msk [tilespmem:v6+s25+$0x0], $0xffff  }
0x247: {  	v15 =	vld.idx.msk [tilespmem:v4+s25+$0x0], $0xffff  }
0x248: {  	v16 =	vld.idx.msk [tilespmem:v3+s25+$0x0], $0xffff  }
0x249: {  	v17 =	vld.idx.msk [tilespmem:v2+s25+$0x0], $0xffff  }
0x24a: {  	v18 =	vld.idx.msk [tilespmem:v1+s25+$0x0], $0xffff  }
0x24b: {  	v19 =	vld.idx.msk [tilespmem:v0+s25+$0x0], $0xffff  }
0x24c: {  	v7 =	vld.idx.msk [tilespmem:v7+s25+$0x0], $0xffff  }
0x24d: {  	v9 =	vld.idx.msk [tilespmem:v9+s25+$0x0], $0xffff  }
0x24e: {  	v10 =	vld.idx.msk [tilespmem:v10+s25+$0x0], $0xffff  }
0x24f: {  	v4 =	vld.idx.msk [tilespmem:v11+s25+$0x0], $0xffff  }
0x250: {  	v3 =	vld.idx.msk [tilespmem:v12+s25+$0x0], $0xffff  }
0x251: {  	v2 =	vld.idx.msk [tilespmem:v13+s25+$0x0], $0xffff  }
0x252: {  	v1 =	vld.idx.msk [tilespmem:v8+s25+$0x0], $0xffff  }
0x253: {  	v0 =	vld.idx.msk [tilespmem:v14+s25+$0x0], $0xffff  }
0x254: {  	v8 =	vld [tilespmem:s0+$0xFFFFFF80]  }
0x255: {  	v11 =	vld [tilespmem:s0+$0xFFFFFF90]  }
0x256: {  	v12 =	vld [tilespmem:s0+$0xFFFFFFA0]  }
0x257: {  	v13 =	vld [tilespmem:s0+$0xFFFFFFB0]  }
0x258: {  	v14 =	vld [tilespmem:s0+$0xFFFFFFC0]  }
0x259: {  	v7 =	vmul.f32 v8, v7;
	v8 =	vld [tilespmem:s0+$0xFFFFFFD0]  }
0x25a: {  	v5 =	vmul.f32 v11, v5;
	v11 =	vld [tilespmem:s0+$0xFFFFFFE0]  }
0x25b: {  	[tilespmem:s13+$0xFFFFFF80] =	vst v7;
	v6 =	vmul.f32 v12, v6;
	v7 =	vld [tilespmem:s0+$0xFFFFFFF0]  }
0x25c: {  	[tilespmem:s13+$0xFFFFFF90] =	vst v5;
	v5 =	vmul.f32 v13, v15;
	v12 =	vld [tilespmem:s0+$0x0]  }
0x25d: {  	[tilespmem:s13+$0xFFFFFFA0] =	vst v6;
	v6 =	vmul.f32 v14, v16;
	v13 =	vld [tilespmem:s0+$0x10]  }
.Ltmp4:
0x25e: {  	[tilespmem:s13+$0xFFFFFFB0] =	vst v5;
	v8 =	vmul.f32 v8, v17;
	v5 =	vld [tilespmem:s0+$0x20];
	(pc) =	sbr.rel @p0 .LBB2_11-.Ltmp4, $4  }
0x25f: {  	[tilespmem:s13+$0xFFFFFFC0] =	vst v6;
	v11 =	vmul.f32 v11, v18;
	v6 =	vld [tilespmem:s0+$0x30]  }
0x260: {  	[tilespmem:s13+$0xFFFFFFD0] =	vst v8;
	v14 =	vmul.f32 v7, v19;
	v7 =	vld [tilespmem:s0+$0x40]  }
0x261: {  	[tilespmem:s13+$0xFFFFFFE0] =	vst v11;
	v11 =	vmul.f32 v12, v9;
	v8 =	vld [tilespmem:s0+$0x50]  }
0x262: {  	s28 =	sadd.s32 $0x100, s28;
	[tilespmem:s13+$0xFFFFFFF0] =	vst v14;
	v10 =	vmul.f32 v13, v10;
	v9 =	vld [tilespmem:s0+$0x60]  }
0x263: {  	[tilespmem:s13+$0x0] =	vst v11;
	v4 =	vmul.f32 v5, v4  }
0x264: {  	[tilespmem:s13+$0x10] =	vst v10;
	v3 =	vmul.f32 v6, v3  }
0x265: {  	[tilespmem:s13+$0x20] =	vst v4;
	v2 =	vmul.f32 v7, v2  }
0x266: {  	s0 =	sshll.u32 s10, $0xF;
	[tilespmem:s13+$0x30] =	vst v3;
	v1 =	vmul.f32 v8, v1  }
0x267: {  	s0 =	sadd.s32 s14, s0;
	[tilespmem:s13+$0x40] =	vst v2;
	v0 =	vmul.f32 v9, v0  }
0x268: {  	s0 =	sshrl.u32 s0, $0x3;
	[tilespmem:s13+$0x50] =	vst v1  }
0x269: {  	s1 =	sor.u32 $0x800, s1;
	s0 =	sadd.s32 s5, s0;
	[tilespmem:s13+$0x60] =	vst v0  }
0x26a: {  	[hbm4b:s0+s20] =	stream.strided.scatter [tilespmem:s21], [sflag:$0x3], $0x800, s24, s20, $0x38;
	[tilespmem:$0x1F700] =	vst v63  }
0x26b: {  	s30 =	sadd.s32 s1, s6  }
0x26c: {  	[tilespmem:s29], [sflag:$0x4] =	stream.linear.gather [spmem:s30], $0x800, $0x38;
	[tilespmem:$0x1F700] =	vst v63  }
0x26d: {  	_ =	swait.ge [sflag:s19], $0x800  }
0x26e: {  	[sflag:s19] =	ssyncset.done $0x0  }
0x26f: {  	[sflag:s19] =	ssyncadd.s32 $0xFFFFF800  }
0x270: {  	_ =	swait.ge [sflag:s8], $0x800  }
0x271: {  	[sflag:s8] =	ssyncset.done $0x0  }
0x272: {  	[sflag:s8] =	ssyncadd.s32 $0xFFFFF800  }
0x273: {  	v0 =	vld [tilespmem:s11+$0x0]  }
0x274: {  	v1 =	vld [tilespmem:s11+$0xFFFFFF20]  }
0x275: {  	v2 =	vld [tilespmem:s11+$0xFFFFFF30]  }
0x276: {  	v3 =	vld [tilespmem:s11+$0xFFFFFF40]  }
0x277: {  	v4 =	vld [tilespmem:s11+$0xFFFFFF50]  }
0x278: {  	v5 =	vld [tilespmem:s11+$0xFFFFFF60]  }
0x279: {  	v6 =	vld [tilespmem:s11+$0xFFFFFF70]  }
0x27a: {  	s0 =	simm.s32 $0x1DB80;
	v7 =	vld [tilespmem:s11+$0xFFFFFF80]  }
0x27b: {  	v9 =	vld [tilespmem:s0+$0x70]  }
0x27c: {  	v10 =	vld [tilespmem:s11+$0xFFFFFFA0]  }
0x27d: {  	v11 =	vld [tilespmem:s11+$0xFFFFFFB0]  }
0x27e: {  	v12 =	vld [tilespmem:s11+$0xFFFFFFC0]  }
0x27f: {  	v13 =	vld [tilespmem:s11+$0xFFFFFFD0]  }
0x280: {  	v14 =	vld [tilespmem:s11+$0xFFFFFFE0]  }
0x281: {  	v15 =	vld [tilespmem:s11+$0xFFFFFFF0]  }
0x282: {  	v16 =	vld [tilespmem:s11+$0xFFFFFF10]  }
0x283: {  	v55 =	vld [tilespmem:s0+$0xFFFFFF90]  }
0x284: {  	v56 =	vld [tilespmem:s0+$0xFFFFFFA0]  }
0x285: {  	v57 =	vld [tilespmem:s0+$0xFFFFFFB0]  }
0x286: {  	v58 =	vld [tilespmem:s0+$0xFFFFFFD0]  }
0x287: {  	v59 =	vld [tilespmem:s0+$0xFFFFFFE0]  }
0x288: {  	v60 =	vld [tilespmem:s0+$0xFFFFFFF0]  }
0x289: {  	v61 =	vld [tilespmem:s0+$0x0]  }
0x28a: {  	v62 =	vld [tilespmem:s0+$0x10]  }
0x28b: {  	v8 =	vld.idx.msk [tilespmem:v0+s25+$0x0], $0xffff  }
0x28c: {  	v0 =	vld [tilespmem:s11+$0xFFFFFF90]  }
0x28d: {  	v17 =	vld.idx.msk [tilespmem:v1+s25+$0x0], $0xffff  }
0x28e: {  	v18 =	vld.idx.msk [tilespmem:v2+s25+$0x0], $0xffff  }
0x28f: {  	v19 =	vld.idx.msk [tilespmem:v3+s25+$0x0], $0xffff  }
0x290: {  	v20 =	vld.idx.msk [tilespmem:v4+s25+$0x0], $0xffff  }
0x291: {  	v5 =	vld.idx.msk [tilespmem:v5+s25+$0x0], $0xffff  }
0x292: {  	v16 =	vld.idx.msk [tilespmem:v16+s25+$0x0], $0xffff  }
0x293: {  	v4 =	vld.idx.msk [tilespmem:v11+s25+$0x0], $0xffff  }
0x294: {  	v11 =	vld [tilespmem:s0+$0xFFFFFF80]  }
0x295: {  	v6 =	vld.idx.msk [tilespmem:v6+s25+$0x0], $0xffff  }
0x296: {  	v7 =	vld.idx.msk [tilespmem:v7+s25+$0x0], $0xffff  }
0x297: {  	v10 =	vld.idx.msk [tilespmem:v10+s25+$0x0], $0xffff  }
0x298: {  	v8 =	vmul.f32 v9, v8;
	v9 =	vld [tilespmem:s0+$0xFFFFFFC0]  }
0x299: {  	s13 =	simm.s32 $0x1EB80;
	v3 =	vld.idx.msk [tilespmem:v12+s25+$0x0], $0xffff;
	v11 =	vmul.f32 v11, v16  }
0x29a: {  	v2 =	vld.idx.msk [tilespmem:v13+s25+$0x0], $0xffff;
	[tilespmem:s13+$0x70] =	vst v8;
	v8 =	vmul.f32 v55, v17  }
0x29b: {  	v1 =	vld.idx.msk [tilespmem:v14+s25+$0x0], $0xffff;
	v63 =	vmul.f32 v60, v7;
	[tilespmem:s13+$0xFFFFFF80] =	vst v11  }
0x29c: {  	v21 =	vld.idx.msk [tilespmem:v0+s25+$0x0], $0xffff;
	[tilespmem:s13+$0xFFFFFF90] =	vst v8;
	v8 =	vmul.f32 v57, v19  }
0x29d: {  	v7 =	vld [tilespmem:s0+$0x40];
	[tilespmem:s13+$0xFFFFFFF0] =	vst v63;
	v9 =	vmul.f32 v9, v20  }
0x29e: {  	v11 =	vmul.f32 v56, v18;
	[tilespmem:s13+$0xFFFFFFB0] =	vst v8;
	v8 =	vmul.f32 v58, v5;
	v5 =	vld [tilespmem:s0+$0x20]  }
0x29f: {  	[tilespmem:s13+$0xFFFFFFC0] =	vst v9;
	v9 =	vmul.f32 v59, v6;
	v6 =	vld [tilespmem:s0+$0x30]  }
0x2a0: {  	v0 =	vld.idx.msk [tilespmem:v15+s25+$0x0], $0xffff;
	[tilespmem:s13+$0xFFFFFFA0] =	vst v11  }
0x2a1: {  	[tilespmem:s13+$0xFFFFFFD0] =	vst v8;
	v8 =	vld [tilespmem:s0+$0x50];
	v11 =	vmul.f32 v61, v21  }
0x2a2: {  	s15 =	simm.s32 $0x0;
	s28 =	sadd.s32 $0x100, s11;
	v10 =	vmul.f32 v62, v10;
	[tilespmem:s13+$0xFFFFFFE0] =	vst v9;
	v9 =	vld [tilespmem:s0+$0x60]  }
.LBB2_13:
0x2a3: {  	v12 =	vld [tilespmem:s28+$0x0];
	s15 =	sadd.s32 $0x10, s15;
	[tilespmem:s13+$0x0] =	vst v11;
	v4 =	vmul.f32 v5, v4  }
0x2a4: {  	v5 =	vld [tilespmem:s28+$0xFFFFFF20];
	p0 =	slt.u32 s15, $0x70;
	[tilespmem:s13+$0x10] =	vst v10;
	v3 =	vmul.f32 v6, v3  }
0x2a5: {  	v6 =	vld [tilespmem:s28+$0xFFFFFF30];
	[tilespmem:s13+$0x20] =	vst v4;
	v2 =	vmul.f32 v7, v2  }
0x2a6: {  	v4 =	vld [tilespmem:s28+$0xFFFFFF40];
	[tilespmem:s13+$0x30] =	vst v3;
	v1 =	vmul.f32 v8, v1  }
0x2a7: {  	v3 =	vld [tilespmem:s28+$0xFFFFFF50];
	[tilespmem:s13+$0x40] =	vst v2;
	v0 =	vmul.f32 v9, v0  }
0x2a8: {  	v2 =	vld [tilespmem:s28+$0xFFFFFF60];
	[tilespmem:s13+$0x50] =	vst v1  }
0x2a9: {  	v1 =	vld [tilespmem:s28+$0xFFFFFF70];
	[tilespmem:s13+$0x60] =	vst v0  }
0x2aa: {  	v0 =	vld [tilespmem:s28+$0xFFFFFF80]  }
0x2ab: {  	s0 =	sadd.s32 $0x100, s0;
	v7 =	vld.idx.msk [tilespmem:v12+s25+$0x0], $0xffff  }
0x2ac: {  	v8 =	vld [tilespmem:s0+$0x70]  }
0x2ad: {  	v9 =	vld [tilespmem:s28+$0xFFFFFF90]  }
0x2ae: {  	v10 =	vld [tilespmem:s28+$0xFFFFFFA0]  }
0x2af: {  	v11 =	vld [tilespmem:s28+$0xFFFFFFB0]  }
0x2b0: {  	v12 =	vld [tilespmem:s28+$0xFFFFFFC0]  }
0x2b1: {  	v13 =	vld [tilespmem:s28+$0xFFFFFFD0];
	v7 =	vmul.f32 v8, v7  }
0x2b2: {  	s13 =	sadd.s32 $0x100, s13;
	v8 =	vld [tilespmem:s28+$0xFFFFFFE0]  }
0x2b3: {  	v14 =	vld [tilespmem:s28+$0xFFFFFFF0];
	[tilespmem:s13+$0x70] =	vst v7  }
0x2b4: {  	v7 =	vld [tilespmem:s28+$0xFFFFFF10]  }
0x2b5: {  	v5 =	vld.idx.msk [tilespmem:v5+s25+$0x0], $0xffff  }
0x2b6: {  	v6 =	vld.idx.msk [tilespmem:v6+s25+$0x0], $0xffff  }
0x2b7: {  	v15 =	vld.idx.msk [tilespmem:v4+s25+$0x0], $0xffff  }
0x2b8: {  	v16 =	vld.idx.msk [tilespmem:v3+s25+$0x0], $0xffff  }
0x2b9: {  	v17 =	vld.idx.msk [tilespmem:v2+s25+$0x0], $0xffff  }
0x2ba: {  	v18 =	vld.idx.msk [tilespmem:v1+s25+$0x0], $0xffff  }
0x2bb: {  	v19 =	vld.idx.msk [tilespmem:v0+s25+$0x0], $0xffff  }
0x2bc: {  	v7 =	vld.idx.msk [tilespmem:v7+s25+$0x0], $0xffff  }
0x2bd: {  	v9 =	vld.idx.msk [tilespmem:v9+s25+$0x0], $0xffff  }
0x2be: {  	v10 =	vld.idx.msk [tilespmem:v10+s25+$0x0], $0xffff  }
0x2bf: {  	v4 =	vld.idx.msk [tilespmem:v11+s25+$0x0], $0xffff  }
0x2c0: {  	v3 =	vld.idx.msk [tilespmem:v12+s25+$0x0], $0xffff  }
0x2c1: {  	v2 =	vld.idx.msk [tilespmem:v13+s25+$0x0], $0xffff  }
0x2c2: {  	v1 =	vld.idx.msk [tilespmem:v8+s25+$0x0], $0xffff  }
0x2c3: {  	v0 =	vld.idx.msk [tilespmem:v14+s25+$0x0], $0xffff  }
0x2c4: {  	v8 =	vld [tilespmem:s0+$0xFFFFFF80]  }
0x2c5: {  	v11 =	vld [tilespmem:s0+$0xFFFFFF90]  }
0x2c6: {  	v12 =	vld [tilespmem:s0+$0xFFFFFFA0]  }
0x2c7: {  	v13 =	vld [tilespmem:s0+$0xFFFFFFB0]  }
0x2c8: {  	v14 =	vld [tilespmem:s0+$0xFFFFFFC0]  }
0x2c9: {  	v7 =	vmul.f32 v8, v7;
	v8 =	vld [tilespmem:s0+$0xFFFFFFD0]  }
0x2ca: {  	v5 =	vmul.f32 v11, v5;
	v11 =	vld [tilespmem:s0+$0xFFFFFFE0]  }
0x2cb: {  	[tilespmem:s13+$0xFFFFFF80] =	vst v7;
	v6 =	vmul.f32 v12, v6;
	v7 =	vld [tilespmem:s0+$0xFFFFFFF0]  }
0x2cc: {  	[tilespmem:s13+$0xFFFFFF90] =	vst v5;
	v5 =	vmul.f32 v13, v15;
	v12 =	vld [tilespmem:s0+$0x0]  }
0x2cd: {  	[tilespmem:s13+$0xFFFFFFA0] =	vst v6;
	v6 =	vmul.f32 v14, v16;
	v13 =	vld [tilespmem:s0+$0x10]  }
.Ltmp5:
0x2ce: {  	[tilespmem:s13+$0xFFFFFFB0] =	vst v5;
	v8 =	vmul.f32 v8, v17;
	v5 =	vld [tilespmem:s0+$0x20];
	(pc) =	sbr.rel @p0 .LBB2_13-.Ltmp5, $4  }
0x2cf: {  	[tilespmem:s13+$0xFFFFFFC0] =	vst v6;
	v11 =	vmul.f32 v11, v18;
	v6 =	vld [tilespmem:s0+$0x30]  }
0x2d0: {  	[tilespmem:s13+$0xFFFFFFD0] =	vst v8;
	v14 =	vmul.f32 v7, v19;
	v7 =	vld [tilespmem:s0+$0x40]  }
0x2d1: {  	[tilespmem:s13+$0xFFFFFFE0] =	vst v11;
	v11 =	vmul.f32 v12, v9;
	v8 =	vld [tilespmem:s0+$0x50]  }
0x2d2: {  	s28 =	sadd.s32 $0x100, s28;
	[tilespmem:s13+$0xFFFFFFF0] =	vst v14;
	v10 =	vmul.f32 v13, v10;
	v9 =	vld [tilespmem:s0+$0x60]  }
0x2d3: {  	[tilespmem:s13+$0x0] =	vst v11;
	v4 =	vmul.f32 v5, v4  }
0x2d4: {  	s10 =	sadd.s32 $0x1, s10;
	[tilespmem:s13+$0x10] =	vst v10;
	v3 =	vmul.f32 v6, v3  }
0x2d5: {  	p0 =	sne.s32 s10, $0x4;
	[tilespmem:s13+$0x20] =	vst v4;
	v2 =	vmul.f32 v7, v2  }
.Ltmp6:
0x2d6: {  	[tilespmem:s13+$0x30] =	vst v3;
	v1 =	vmul.f32 v8, v1;
	(pc) =	sbr.rel @p0 .LBB2_10-.Ltmp6, $4  }
0x2d7: {  	[tilespmem:s13+$0x40] =	vst v2;
	v0 =	vmul.f32 v9, v0  }
0x2d8: {  	[tilespmem:s13+$0x50] =	vst v1  }
0x2d9: {  	s0 =	sadd.s32 s17, s1;
	s9 =	sadd.s32 $0x1000, s9;
	s11 =	sadd.s32 $0x1000, s11;
	[tilespmem:s13+$0x60] =	vst v0  }
0x2da: {  	[hbm4b:s0+s20] =	stream.strided.scatter [tilespmem:s23], [sflag:$0x3], $0x800, s24, s20, $0x38;
	[tilespmem:$0x1F700] =	vst v63  }
0x2db: {  	_ =	swait.ge [sflag:s8], $0x800  }
0x2dc: {  	[sflag:s8] =	ssyncset.done $0x0  }
0x2dd: {  	[sflag:s8] =	ssyncadd.s32 $0xFFFFF800  }
0x2de: {  	_ =	swait.ge [sflag:s8], $0x800  }
0x2df: {  	s26 =	sadd.s32 $0x1, s26;
	s0 =	rddreg [dreg:$0xd]  }
0x2e0: {  	p0 =	sne.s32 s26, s0  }
.Ltmp7:
0x2e1: {  	_ = 	snop;
	(pc) =	sbr.rel @p0 .LBB2_1-.Ltmp7, $3  }
0x2e2: {  	_ =	sdelay $0x1  }
0x2e3: {  	[sflag:s8] =	ssyncset.done $0x0  }
0x2e4: {  	[sflag:s8] =	ssyncadd.s32 $0xFFFFF800  }
0x2e5: {  	_ =	sfence.sel $0x180000  }
0x2e6: {  	[bflag:$0x0] =	sbarrier.arrive $0xFFFF  }
0x2e7: {  	_ =	strace $0x90000047  }
0x2e8: {  	s0 =	stileid.u32;
	[bflag:$0x2] =	sbarrier.arrive $0xFFFF  }
0x2e9: {  	p0 =	sne.s32 s0, $0x0;
	s0 =	rddreg [dreg:$0x7]  }
0x2ea: {  	s0 =	sadd.s32 @!p0 $0x100000, s0  }
0x2eb: {  	[sflag:s0] =	ssyncadd.tile.s32 @!p0 $0x1;
	_ =	shalt  }
.Lfunc_end2:
_tile_overlayer_lowered:
.L_overlay_start_2:
0x2ec: {  	(tag) =	ssettag $0x2  }
0x2ed: {  	s0 =	rddreg [dreg:$0x0];
	s2 =	stileid.u32  }
0x2ee: {  	s1 =	rddreg [dreg:$0x1];
	p0 =	sne.s32 s2, $0x0  }
0x2ef: {  	s3 =	rddreg [dreg:$0x2];
	[bflag:$0x3] =	sbarrier.arrive $0xFFFF;
	s2 =	simm.s32 @!p0 $0x1C04  }
0x2f0: {  	[timem:s3], [sflag:s2] =	dma.local @!p0 [hbm:s0], s1  }
0x2f1: {  	s0 =	simm.s32 @!p0 $0x4  }
0x2f2: {  	_ =	swait.ge @!p0 [sflag:s0], s1  }
0x2f3: {  	s1 =	ssub.s32 @!p0 $0x0, s1;
	[sflag:s0] =	ssyncset.done @!p0 $0x0  }
0x2f4: {  	[sflag:s0] =	ssyncadd.s32 @!p0 s1  }
0x2f5: {  	[bflag:$0x3] =	sbarrier.arrive $0xFFFF  }
0x2f6: {  	_ =	shalt  }

</sc_bundles>
